<compile_context>
chip_gen: v7x
topology: tpu7x:2x2x1
jax: 0.10.2.dev20260603
libtpu: 0.0.44.dev20260713+nightly
codegen_flags: <defaults>
</compile_context>

<pallas_src>
import functools

import jax
import jax.numpy as jnp
from jax.experimental import pallas as pl
from jax.experimental.pallas import tpu as pltpu
from jax.experimental.pallas import tpu_sc as plsc

E = 8
D = 1024
H = 400
O = 1024
B = 4096
T = 256
NT = B // T
S = NT + E - 1
BP = S * T

_VEC_MESH = plsc.VectorSubcoreMesh(core_axis_name="c", subcore_axis_name="s")
_NC, _NS = 2, 16
_NW = _NC * _NS
_CHUNK = 32

_RB = 128
_NRB = B // _RB


def _sc_scatter_rows(x, idx, out_rows):
    n, d = x.shape
    b_per_w = n // _NW

    @functools.partial(pl.kernel,
                       out_type=jax.ShapeDtypeStruct((out_rows, d), x.dtype),
                       mesh=_VEC_MESH,
                       scratch_types=[pltpu.VMEM((_CHUNK,), jnp.int32),
                                      pltpu.VMEM((_CHUNK,), jnp.int32),
                                      pltpu.VMEM((_CHUNK, d), x.dtype),
                                      pltpu.VMEM((_CHUNK, d), x.dtype)]
                                     + [pltpu.SemaphoreType.DMA] * 6)
    def scatter_kernel(x_hbm, i_hbm, o_hbm, idx_v0, idx_v1, rows_v0, rows_v1,
                       s0, s1, s2, s3, s4, s5):
        wid = jax.lax.axis_index("s") * _NC + jax.lax.axis_index("c")
        base = wid * b_per_w

        @pl.loop(0, b_per_w // (2 * _CHUNK))
        def _(p):
            off = base + p * 2 * _CHUNK
            ci0 = pltpu.async_copy(i_hbm.at[pl.ds(off, _CHUNK)], idx_v0, s0)
            cr0 = pltpu.async_copy(x_hbm.at[pl.ds(off, _CHUNK)], rows_v0, s1)
            ci1 = pltpu.async_copy(i_hbm.at[pl.ds(off + _CHUNK, _CHUNK)],
                                   idx_v1, s2)
            cr1 = pltpu.async_copy(x_hbm.at[pl.ds(off + _CHUNK, _CHUNK)],
                                   rows_v1, s3)
            ci0.wait(); cr0.wait()
            w0 = pltpu.async_copy(rows_v0, o_hbm.at[idx_v0], s4)
            ci1.wait(); cr1.wait()
            w1 = pltpu.async_copy(rows_v1, o_hbm.at[idx_v1], s5)
            w0.wait(); w1.wait()

    return scatter_kernel(x, idx)


def _sc_gather_rows(x, idx):
    n, d = x.shape
    m = idx.shape[0]
    b_per_w = m // _NW

    @functools.partial(pl.kernel,
                       out_type=jax.ShapeDtypeStruct((m, d), x.dtype),
                       mesh=_VEC_MESH,
                       scratch_types=[pltpu.VMEM((_CHUNK,), jnp.int32),
                                      pltpu.VMEM((_CHUNK,), jnp.int32),
                                      pltpu.VMEM((_CHUNK, d), x.dtype),
                                      pltpu.VMEM((_CHUNK, d), x.dtype)]
                                     + [pltpu.SemaphoreType.DMA] * 6)
    def gather_kernel(x_hbm, i_hbm, o_hbm, idx_v0, idx_v1, rows_v0, rows_v1,
                      s0, s1, s2, s3, s4, s5):
        wid = jax.lax.axis_index("s") * _NC + jax.lax.axis_index("c")
        base = wid * b_per_w

        @pl.loop(0, b_per_w // (2 * _CHUNK))
        def _(p):
            off = base + p * 2 * _CHUNK
            ci0 = pltpu.async_copy(i_hbm.at[pl.ds(off, _CHUNK)], idx_v0, s0)
            ci1 = pltpu.async_copy(i_hbm.at[pl.ds(off + _CHUNK, _CHUNK)],
                                   idx_v1, s1)
            ci0.wait()
            g0 = pltpu.async_copy(x_hbm.at[idx_v0], rows_v0, s2)
            ci1.wait()
            g1 = pltpu.async_copy(x_hbm.at[idx_v1], rows_v1, s3)
            g0.wait()
            w0 = pltpu.async_copy(rows_v0, o_hbm.at[pl.ds(off, _CHUNK)], s4)
            g1.wait()
            w1 = pltpu.async_copy(rows_v1,
                                  o_hbm.at[pl.ds(off + _CHUNK, _CHUNK)], s5)
            w0.wait(); w1.wait()

    return gather_kernel(x, idx)


def _route_body(e_ref, pos_ref, te_ref):
    ei = e_ref[...]
    rows, lanes = ei.shape
    li = jax.lax.broadcasted_iota(jnp.int32, (lanes, lanes), 0)
    lj = jax.lax.broadcasted_iota(jnp.int32, (lanes, lanes), 1)
    U = (li <= lj).astype(jnp.bfloat16)
    J = jnp.ones((lanes, lanes), jnp.bfloat16)
    ri = jax.lax.broadcasted_iota(jnp.int32, (rows, rows), 0)
    rj = jax.lax.broadcasted_iota(jnp.int32, (rows, rows), 1)
    A = (rj < ri).astype(jnp.bfloat16)
    dn = (((1,), (0,)), ((), ()))

    pos_acc = jnp.zeros((rows, lanes), jnp.float32)
    gtile = jnp.int32(0)
    te_acc = jnp.zeros((1, 64), jnp.int32)
    si = jax.lax.broadcasted_iota(jnp.int32, (1, 64), 1)
    for e in range(E):
        m = (ei == e).astype(jnp.bfloat16)
        lane_pref = jax.lax.dot_general(m, U, dn,
                                        preferred_element_type=jnp.float32)
        row_tot = jax.lax.dot_general(m, J, dn,
                                      preferred_element_type=jnp.float32)
        prev_rows = jax.lax.dot_general(A, row_tot, dn,
                                        preferred_element_type=jnp.float32)
        incl = lane_pref + prev_rows
        count = jnp.sum(row_tot[:, 0].astype(jnp.int32))
        pos_acc = pos_acc + m.astype(jnp.float32) * (
            incl + (gtile * T).astype(jnp.float32))
        te_acc = te_acc + jnp.where(si >= gtile, 1, 0)
        gtile = gtile + (count + (T - 1)) // T
    pos_ref[...] = pos_acc.astype(jnp.int32) - 1
    te_ref[...] = jnp.clip(te_acc - 1, 0, E - 1)


def _route(e2d):
    return pl.pallas_call(
        _route_body,
        grid=(1,),
        in_specs=[pl.BlockSpec((32, 128), lambda s: (0, 0))],
        out_specs=[pl.BlockSpec((32, 128), lambda s: (0, 0)),
                   pl.BlockSpec((1, 64), lambda s: (0, 0))],
        out_shape=[jax.ShapeDtypeStruct((32, 128), jnp.int32),
                   jax.ShapeDtypeStruct((1, 64), jnp.int32)],
    )(e2d)


def _mlp_body(te_ref, z_ref, w1_ref, b1_ref, w2_ref, b2_ref, out_ref):
    x = z_ref[...]
    h = jax.lax.dot_general(x, w1_ref[0], (((1,), (0,)), ((), ())),
                            preferred_element_type=jnp.float32)
    h = jnp.maximum(h + b1_ref[0], 0.0)
    y = jax.lax.dot_general(h, w2_ref[0], (((1,), (0,)), ((), ())),
                            preferred_element_type=jnp.float32)
    out_ref[...] = jax.nn.sigmoid(y + b2_ref[0])


def _grouped_mlp(z_padded, W1, b1, W2, b2, te):
    grid_spec = pltpu.PrefetchScalarGridSpec(
        num_scalar_prefetch=1,
        grid=(S,),
        in_specs=[
            pl.BlockSpec((T, D), lambda s, te: (s, 0)),
            pl.BlockSpec((1, D, H), lambda s, te: (te[s], 0, 0)),
            pl.BlockSpec((1, 1, H), lambda s, te: (te[s], 0, 0)),
            pl.BlockSpec((1, H, O), lambda s, te: (te[s], 0, 0)),
            pl.BlockSpec((1, 1, O), lambda s, te: (te[s], 0, 0)),
        ],
        out_specs=pl.BlockSpec((T, O), lambda s, te: (s, 0)),
    )
    return pl.pallas_call(
        _mlp_body,
        grid_spec=grid_spec,
        out_shape=jax.ShapeDtypeStruct((BP, O), jnp.float32),
    )(te, z_padded, W1, b1, W2, b2)


def kernel(z, angle_idx, W1, b1, W2, b2):
    e2d = angle_idx.astype(jnp.int32).reshape(32, 128)
    pos2d, te2d = _route(e2d)
    pos = pos2d.reshape(B)
    te = te2d.reshape(64)

    z_padded = _sc_scatter_rows(z, pos, BP)
    y_padded = _grouped_mlp(z_padded, W1, b1.reshape(E, 1, H), W2,
                            b2.reshape(E, 1, O), te)
    return _sc_gather_rows(y_padded, pos)

# --- scband reference (transcript-rebuilt; emitter-appended) ---
"""Pipeline reference for scband-modular-decoder-71502615544596 (READ-ONLY COPY).

The authoritative reference and input builder live on the scoring server;
editing this copy changes nothing except your own understanding.
"""

import jax, jax.numpy as jnp
import numpy as np

E = 8      # num_modules
D = 1024   # latent_dim
H = 400    # fixed hidden dim in Dec
O = 1024   # output_dim
B = 4096   # tokens


def setup_inputs(seed: int = 0) -> dict:
    key = jax.random.key(seed)
    ks = jax.random.split(key, 6)
    z = jax.random.normal(ks[0], (B, D), dtype=jnp.float32)
    angle_idx = jax.random.randint(ks[1], (B,), 0, E, dtype=jnp.int64)
    # Per-expert parameters: Dec = Linear(D,400) -> ReLU -> Linear(400,O) -> sigmoid
    W1 = jax.random.normal(ks[2], (E, D, H), dtype=jnp.float32) * (1.0 / np.sqrt(D))
    b1 = jax.random.uniform(ks[3], (E, H), dtype=jnp.float32, minval=-1.0 / np.sqrt(D), maxval=1.0 / np.sqrt(D))
    W2 = jax.random.normal(ks[4], (E, H, O), dtype=jnp.float32) * (1.0 / np.sqrt(H))
    b2 = jax.random.uniform(ks[5], (E, O), dtype=jnp.float32, minval=-1.0 / np.sqrt(H), maxval=1.0 / np.sqrt(H))
    return {"z": z, "angle_idx": angle_idx, "W1": W1, "b1": b1, "W2": W2, "b2": b2}


def reference(z, angle_idx, W1, b1, W2, b2):
    # Faithful to ModularDecoder.forward: each row i is processed by
    # submodule angle_idx[i]: sigmoid(W2[e] @ relu(W1[e] @ z_i + b1[e]) + b2[e]).
    # Implemented as masked per-expert dense passes (same math per token).
    num_experts = W1.shape[0]
    out = jnp.zeros((z.shape[0], W2.shape[2]), dtype=jnp.float32)
    for e in range(num_experts):
        h = jnp.maximum(z @ W1[e] + b1[e], 0.0)
        y = jax.nn.sigmoid(h @ W2[e] + b2[e])
        mask = (angle_idx == e)[:, None]
        out = jnp.where(mask, y, out)
    return out

if __name__ == "__main__":
    import jax
    _d = setup_inputs()
    print(jax.jit(kernel)(*tuple(_d.values())))

</pallas_src>

<mosaic_0001>
#map = affine_map<(d0, d1) -> (0, 0)>
#map1 = affine_map<(d0, d1) -> (0)>
module attributes {stable_mosaic.version = 14 : i64} {
  func.func @scatter_kernel(%arg0: i32, %arg1: i32, %arg2: memref<4096x1024xf32, #tpu.memory_space<hbm>>, %arg3: memref<4096xi32, #tpu.memory_space<hbm>>, %arg4: memref<5888x1024xf32, #tpu.memory_space<hbm>>, %arg5: memref<32xi32, #tpu.memory_space<vmem>>, %arg6: memref<32xi32, #tpu.memory_space<vmem>>, %arg7: memref<32x1024xf32, #tpu.memory_space<vmem>>, %arg8: memref<32x1024xf32, #tpu.memory_space<vmem>>, %arg9: memref<!tpu.dma_semaphore, #tpu.memory_space<semaphore_mem>>, %arg10: memref<!tpu.dma_semaphore, #tpu.memory_space<semaphore_mem>>, %arg11: memref<!tpu.dma_semaphore, #tpu.memory_space<semaphore_mem>>, %arg12: memref<!tpu.dma_semaphore, #tpu.memory_space<semaphore_mem>>, %arg13: memref<!tpu.dma_semaphore, #tpu.memory_space<semaphore_mem>>, %arg14: memref<!tpu.dma_semaphore, #tpu.memory_space<semaphore_mem>>) attributes {dimension_semantics = [#tpu.dimension_semantics<core_parallel>, #tpu.dimension_semantics<subcore_parallel>], iteration_bounds = array<i64: 2, 16>, scalar_prefetch = 0 : i64, scratch_operands = 10 : i64, tpu.core_type = #tpu.core_type<sc_vector_subcore>, window_params = [{transform_indices = #map}, {transform_indices = #map1}, {transform_indices = #map}]} {
    %mul3A = arith.constant 2 : i32
    %mul3A_0 = arith.muli %arg1, %mul3A : i32
    %add3A = arith.addi %mul3A_0, %arg0 : i32
    %mul3A_1 = arith.constant 128 : i32
    %mul3A_2 = arith.muli %add3A, %mul3A_1 : i32
    %scan3A = arith.constant 0 : i32
    %scan3A_3 = arith.constant 2 : i32
    %scan3A_4 = arith.addi %scan3A, %scan3A_3 : i32
    %scan3A_5 = arith.constant 1 : i32
    scf.for %scan3A_7 = %scan3A to %scan3A_4 step %scan3A_5  : i32 {
      %mul3A_8 = arith.constant 1 : i32
      %mul3A_9 = arith.muli %scan3A_7, %mul3A_8 : i32
      %add3A_10 = arith.constant 0 : i32
      %add3A_11 = arith.addi %add3A_10, %mul3A_9 : i32
      %mul3A_12 = arith.constant 2 : i32
      %mul3A_13 = arith.muli %add3A_11, %mul3A_12 : i32
      %mul3A_14 = arith.constant 32 : i32
      %mul3A_15 = arith.muli %mul3A_13, %mul3A_14 : i32
      %add3A_16 = arith.addi %mul3A_2, %mul3A_15 : i32
      %dma_start3A = tpu.memref_slice %arg3[%add3A_16] : memref<4096xi32, #tpu.memory_space<hbm>> -> memref<32xi32, #tpu.memory_space<hbm>>
      %dma_start3A_17 = tpu.memref_slice %arg3[%add3A_16] : memref<4096xi32, #tpu.memory_space<hbm>> -> memref<32xi32, #tpu.memory_space<hbm>>
      tpu.enqueue_dma source(%dma_start3A_17 : memref<32xi32, #tpu.memory_space<hbm>>) target(%arg5 : memref<32xi32, #tpu.memory_space<vmem>>) target_semaphore(%arg9 : memref<!tpu.dma_semaphore, #tpu.memory_space<semaphore_mem>>)
      %dma_start3A_18 = arith.constant 0 : i32
      %dma_start3A_19 = tpu.memref_slice %arg2[%add3A_16, %dma_start3A_18] : memref<4096x1024xf32, #tpu.memory_space<hbm>> -> memref<32x1024xf32, #tpu.memory_space<hbm>>
      %dma_start3A_20 = arith.constant 0 : i32
      %dma_start3A_21 = tpu.memref_slice %arg2[%add3A_16, %dma_start3A_20] : memref<4096x1024xf32, #tpu.memory_space<hbm>> -> memref<32x1024xf32, #tpu.memory_space<hbm>>
      tpu.enqueue_dma source(%dma_start3A_21 : memref<32x1024xf32, #tpu.memory_space<hbm>>) target(%arg7 : memref<32x1024xf32, #tpu.memory_space<vmem>>) target_semaphore(%arg10 : memref<!tpu.dma_semaphore, #tpu.memory_space<semaphore_mem>>)
      %add3A_22 = arith.constant 32 : i32
      %add3A_23 = arith.addi %add3A_16, %add3A_22 : i32
      %dma_start3A_24 = tpu.memref_slice %arg3[%add3A_23] : memref<4096xi32, #tpu.memory_space<hbm>> -> memref<32xi32, #tpu.memory_space<hbm>>
      %dma_start3A_25 = tpu.memref_slice %arg3[%add3A_23] : memref<4096xi32, #tpu.memory_space<hbm>> -> memref<32xi32, #tpu.memory_space<hbm>>
      tpu.enqueue_dma source(%dma_start3A_25 : memref<32xi32, #tpu.memory_space<hbm>>) target(%arg6 : memref<32xi32, #tpu.memory_space<vmem>>) target_semaphore(%arg11 : memref<!tpu.dma_semaphore, #tpu.memory_space<semaphore_mem>>)
      %add3A_26 = arith.constant 32 : i32
      %add3A_27 = arith.addi %add3A_16, %add3A_26 : i32
      %dma_start3A_28 = arith.constant 0 : i32
      %dma_start3A_29 = tpu.memref_slice %arg2[%add3A_27, %dma_start3A_28] : memref<4096x1024xf32, #tpu.memory_space<hbm>> -> memref<32x1024xf32, #tpu.memory_space<hbm>>
      %dma_start3A_30 = arith.constant 0 : i32
      %dma_start3A_31 = tpu.memref_slice %arg2[%add3A_27, %dma_start3A_30] : memref<4096x1024xf32, #tpu.memory_space<hbm>> -> memref<32x1024xf32, #tpu.memory_space<hbm>>
      tpu.enqueue_dma source(%dma_start3A_31 : memref<32x1024xf32, #tpu.memory_space<hbm>>) target(%arg8 : memref<32x1024xf32, #tpu.memory_space<vmem>>) target_semaphore(%arg12 : memref<!tpu.dma_semaphore, #tpu.memory_space<semaphore_mem>>)
      %dma_wait3A = tpu.memref_slice %arg3[%add3A_16] : memref<4096xi32, #tpu.memory_space<hbm>> -> memref<32xi32, #tpu.memory_space<hbm>>
      %dma_wait3A_32 = tpu.memref_slice %arg3[%add3A_16] : memref<4096xi32, #tpu.memory_space<hbm>> -> memref<32xi32, #tpu.memory_space<hbm>>
      tpu.wait_dma2 semaphore(%arg9 : memref<!tpu.dma_semaphore, #tpu.memory_space<semaphore_mem>>) src(%dma_wait3A_32 : memref<32xi32, #tpu.memory_space<hbm>>) dst(%arg5 : memref<32xi32, #tpu.memory_space<vmem>>)
      %dma_wait3A_33 = arith.constant 0 : i32
      %dma_wait3A_34 = tpu.memref_slice %arg2[%add3A_16, %dma_wait3A_33] : memref<4096x1024xf32, #tpu.memory_space<hbm>> -> memref<32x1024xf32, #tpu.memory_space<hbm>>
      %dma_wait3A_35 = arith.constant 0 : i32
      %dma_wait3A_36 = tpu.memref_slice %arg2[%add3A_16, %dma_wait3A_35] : memref<4096x1024xf32, #tpu.memory_space<hbm>> -> memref<32x1024xf32, #tpu.memory_space<hbm>>
      tpu.wait_dma2 semaphore(%arg10 : memref<!tpu.dma_semaphore, #tpu.memory_space<semaphore_mem>>) src(%dma_wait3A_36 : memref<32x1024xf32, #tpu.memory_space<hbm>>) dst(%arg7 : memref<32x1024xf32, #tpu.memory_space<vmem>>)
      %dma_start3A_37 = arith.constant 0 : i32
      %dma_start3A_38 = arith.constant 0 : i32
      %dma_start3A_39 = tpu.memref_slice %arg4[%dma_start3A_37, %dma_start3A_38] : memref<5888x1024xf32, #tpu.memory_space<hbm>> -> memref<5888x1024xf32, #tpu.memory_space<hbm>>
      tpu.enqueue_indirect_dma source(%arg7 : memref<32x1024xf32, #tpu.memory_space<vmem>>) target(%dma_start3A_39 : memref<5888x1024xf32, #tpu.memory_space<hbm>>) offsets(%arg5 : memref<32xi32, #tpu.memory_space<vmem>>) semaphore(%arg13 : memref<!tpu.dma_semaphore, #tpu.memory_space<semaphore_mem>>)
      %dma_wait3A_40 = tpu.memref_slice %arg3[%add3A_23] : memref<4096xi32, #tpu.memory_space<hbm>> -> memref<32xi32, #tpu.memory_space<hbm>>
      %dma_wait3A_41 = tpu.memref_slice %arg3[%add3A_23] : memref<4096xi32, #tpu.memory_space<hbm>> -> memref<32xi32, #tpu.memory_space<hbm>>
      tpu.wait_dma2 semaphore(%arg11 : memref<!tpu.dma_semaphore, #tpu.memory_space<semaphore_mem>>) src(%dma_wait3A_41 : memref<32xi32, #tpu.memory_space<hbm>>) dst(%arg6 : memref<32xi32, #tpu.memory_space<vmem>>)
      %dma_wait3A_42 = arith.constant 0 : i32
      %dma_wait3A_43 = tpu.memref_slice %arg2[%add3A_27, %dma_wait3A_42] : memref<4096x1024xf32, #tpu.memory_space<hbm>> -> memref<32x1024xf32, #tpu.memory_space<hbm>>
      %dma_wait3A_44 = arith.constant 0 : i32
      %dma_wait3A_45 = tpu.memref_slice %arg2[%add3A_27, %dma_wait3A_44] : memref<4096x1024xf32, #tpu.memory_space<hbm>> -> memref<32x1024xf32, #tpu.memory_space<hbm>>
      tpu.wait_dma2 semaphore(%arg12 : memref<!tpu.dma_semaphore, #tpu.memory_space<semaphore_mem>>) src(%dma_wait3A_45 : memref<32x1024xf32, #tpu.memory_space<hbm>>) dst(%arg8 : memref<32x1024xf32, #tpu.memory_space<vmem>>)
      %dma_start3A_46 = arith.constant 0 : i32
      %dma_start3A_47 = arith.constant 0 : i32
      %dma_start3A_48 = tpu.memref_slice %arg4[%dma_start3A_46, %dma_start3A_47] : memref<5888x1024xf32, #tpu.memory_space<hbm>> -> memref<5888x1024xf32, #tpu.memory_space<hbm>>
      tpu.enqueue_indirect_dma source(%arg8 : memref<32x1024xf32, #tpu.memory_space<vmem>>) target(%dma_start3A_48 : memref<5888x1024xf32, #tpu.memory_space<hbm>>) offsets(%arg6 : memref<32xi32, #tpu.memory_space<vmem>>) semaphore(%arg14 : memref<!tpu.dma_semaphore, #tpu.memory_space<semaphore_mem>>)
      %dma_wait3A_49 = arith.constant 0 : i32
      %dma_wait3A_50 = arith.constant 0 : i32
      %dma_wait3A_51 = tpu.memref_slice %arg4[%dma_wait3A_49, %dma_wait3A_50] : memref<5888x1024xf32, #tpu.memory_space<hbm>> -> memref<5888x1024xf32, #tpu.memory_space<hbm>>
      tpu.wait_indirect_dma semaphore(%arg13 : memref<!tpu.dma_semaphore, #tpu.memory_space<semaphore_mem>>) src(%arg7 : memref<32x1024xf32, #tpu.memory_space<vmem>>) dst(%dma_wait3A_51 : memref<5888x1024xf32, #tpu.memory_space<hbm>>)
      %dma_wait3A_52 = arith.constant 0 : i32
      %dma_wait3A_53 = arith.constant 0 : i32
      %dma_wait3A_54 = tpu.memref_slice %arg4[%dma_wait3A_52, %dma_wait3A_53] : memref<5888x1024xf32, #tpu.memory_space<hbm>> -> memref<5888x1024xf32, #tpu.memory_space<hbm>>
      tpu.wait_indirect_dma semaphore(%arg14 : memref<!tpu.dma_semaphore, #tpu.memory_space<semaphore_mem>>) src(%arg8 : memref<32x1024xf32, #tpu.memory_space<vmem>>) dst(%dma_wait3A_54 : memref<5888x1024xf32, #tpu.memory_space<hbm>>)
    }
    %scan3A_6 = arith.constant 2 : i32
    return
  }
}

#map = affine_map<(d0, d1) -> (0, 0)>
#map1 = affine_map<(d0, d1) -> (0)>
module attributes {stable_mosaic.version = 14 : i64} {
  func.func @gather_kernel(%arg0: i32, %arg1: i32, %arg2: memref<5888x1024xf32, #tpu.memory_space<hbm>>, %arg3: memref<4096xi32, #tpu.memory_space<hbm>>, %arg4: memref<4096x1024xf32, #tpu.memory_space<hbm>>, %arg5: memref<32xi32, #tpu.memory_space<vmem>>, %arg6: memref<32xi32, #tpu.memory_space<vmem>>, %arg7: memref<32x1024xf32, #tpu.memory_space<vmem>>, %arg8: memref<32x1024xf32, #tpu.memory_space<vmem>>, %arg9: memref<!tpu.dma_semaphore, #tpu.memory_space<semaphore_mem>>, %arg10: memref<!tpu.dma_semaphore, #tpu.memory_space<semaphore_mem>>, %arg11: memref<!tpu.dma_semaphore, #tpu.memory_space<semaphore_mem>>, %arg12: memref<!tpu.dma_semaphore, #tpu.memory_space<semaphore_mem>>, %arg13: memref<!tpu.dma_semaphore, #tpu.memory_space<semaphore_mem>>, %arg14: memref<!tpu.dma_semaphore, #tpu.memory_space<semaphore_mem>>) attributes {dimension_semantics = [#tpu.dimension_semantics<core_parallel>, #tpu.dimension_semantics<subcore_parallel>], iteration_bounds = array<i64: 2, 16>, scalar_prefetch = 0 : i64, scratch_operands = 10 : i64, tpu.core_type = #tpu.core_type<sc_vector_subcore>, window_params = [{transform_indices = #map}, {transform_indices = #map1}, {transform_indices = #map}]} {
    %mul3A = arith.constant 2 : i32
    %mul3A_0 = arith.muli %arg1, %mul3A : i32
    %add3A = arith.addi %mul3A_0, %arg0 : i32
    %mul3A_1 = arith.constant 128 : i32
    %mul3A_2 = arith.muli %add3A, %mul3A_1 : i32
    %scan3A = arith.constant 0 : i32
    %scan3A_3 = arith.constant 2 : i32
    %scan3A_4 = arith.addi %scan3A, %scan3A_3 : i32
    %scan3A_5 = arith.constant 1 : i32
    scf.for %scan3A_7 = %scan3A to %scan3A_4 step %scan3A_5  : i32 {
      %mul3A_8 = arith.constant 1 : i32
      %mul3A_9 = arith.muli %scan3A_7, %mul3A_8 : i32
      %add3A_10 = arith.constant 0 : i32
      %add3A_11 = arith.addi %add3A_10, %mul3A_9 : i32
      %mul3A_12 = arith.constant 2 : i32
      %mul3A_13 = arith.muli %add3A_11, %mul3A_12 : i32
      %mul3A_14 = arith.constant 32 : i32
      %mul3A_15 = arith.muli %mul3A_13, %mul3A_14 : i32
      %add3A_16 = arith.addi %mul3A_2, %mul3A_15 : i32
      %dma_start3A = tpu.memref_slice %arg3[%add3A_16] : memref<4096xi32, #tpu.memory_space<hbm>> -> memref<32xi32, #tpu.memory_space<hbm>>
      %dma_start3A_17 = tpu.memref_slice %arg3[%add3A_16] : memref<4096xi32, #tpu.memory_space<hbm>> -> memref<32xi32, #tpu.memory_space<hbm>>
      tpu.enqueue_dma source(%dma_start3A_17 : memref<32xi32, #tpu.memory_space<hbm>>) target(%arg5 : memref<32xi32, #tpu.memory_space<vmem>>) target_semaphore(%arg9 : memref<!tpu.dma_semaphore, #tpu.memory_space<semaphore_mem>>)
      %add3A_18 = arith.constant 32 : i32
      %add3A_19 = arith.addi %add3A_16, %add3A_18 : i32
      %dma_start3A_20 = tpu.memref_slice %arg3[%add3A_19] : memref<4096xi32, #tpu.memory_space<hbm>> -> memref<32xi32, #tpu.memory_space<hbm>>
      %dma_start3A_21 = tpu.memref_slice %arg3[%add3A_19] : memref<4096xi32, #tpu.memory_space<hbm>> -> memref<32xi32, #tpu.memory_space<hbm>>
      tpu.enqueue_dma source(%dma_start3A_21 : memref<32xi32, #tpu.memory_space<hbm>>) target(%arg6 : memref<32xi32, #tpu.memory_space<vmem>>) target_semaphore(%arg10 : memref<!tpu.dma_semaphore, #tpu.memory_space<semaphore_mem>>)
      %dma_wait3A = tpu.memref_slice %arg3[%add3A_16] : memref<4096xi32, #tpu.memory_space<hbm>> -> memref<32xi32, #tpu.memory_space<hbm>>
      %dma_wait3A_22 = tpu.memref_slice %arg3[%add3A_16] : memref<4096xi32, #tpu.memory_space<hbm>> -> memref<32xi32, #tpu.memory_space<hbm>>
      tpu.wait_dma2 semaphore(%arg9 : memref<!tpu.dma_semaphore, #tpu.memory_space<semaphore_mem>>) src(%dma_wait3A_22 : memref<32xi32, #tpu.memory_space<hbm>>) dst(%arg5 : memref<32xi32, #tpu.memory_space<vmem>>)
      %dma_start3A_23 = arith.constant 0 : i32
      %dma_start3A_24 = arith.constant 0 : i32
      %dma_start3A_25 = tpu.memref_slice %arg2[%dma_start3A_23, %dma_start3A_24] : memref<5888x1024xf32, #tpu.memory_space<hbm>> -> memref<5888x1024xf32, #tpu.memory_space<hbm>>
      tpu.enqueue_indirect_dma source(%dma_start3A_25 : memref<5888x1024xf32, #tpu.memory_space<hbm>>) target(%arg7 : memref<32x1024xf32, #tpu.memory_space<vmem>>) offsets(%arg5 : memref<32xi32, #tpu.memory_space<vmem>>) semaphore(%arg11 : memref<!tpu.dma_semaphore, #tpu.memory_space<semaphore_mem>>)
      %dma_wait3A_26 = tpu.memref_slice %arg3[%add3A_19] : memref<4096xi32, #tpu.memory_space<hbm>> -> memref<32xi32, #tpu.memory_space<hbm>>
      %dma_wait3A_27 = tpu.memref_slice %arg3[%add3A_19] : memref<4096xi32, #tpu.memory_space<hbm>> -> memref<32xi32, #tpu.memory_space<hbm>>
      tpu.wait_dma2 semaphore(%arg10 : memref<!tpu.dma_semaphore, #tpu.memory_space<semaphore_mem>>) src(%dma_wait3A_27 : memref<32xi32, #tpu.memory_space<hbm>>) dst(%arg6 : memref<32xi32, #tpu.memory_space<vmem>>)
      %dma_start3A_28 = arith.constant 0 : i32
      %dma_start3A_29 = arith.constant 0 : i32
      %dma_start3A_30 = tpu.memref_slice %arg2[%dma_start3A_28, %dma_start3A_29] : memref<5888x1024xf32, #tpu.memory_space<hbm>> -> memref<5888x1024xf32, #tpu.memory_space<hbm>>
      tpu.enqueue_indirect_dma source(%dma_start3A_30 : memref<5888x1024xf32, #tpu.memory_space<hbm>>) target(%arg8 : memref<32x1024xf32, #tpu.memory_space<vmem>>) offsets(%arg6 : memref<32xi32, #tpu.memory_space<vmem>>) semaphore(%arg12 : memref<!tpu.dma_semaphore, #tpu.memory_space<semaphore_mem>>)
      %dma_wait3A_31 = arith.constant 0 : i32
      %dma_wait3A_32 = arith.constant 0 : i32
      %dma_wait3A_33 = tpu.memref_slice %arg2[%dma_wait3A_31, %dma_wait3A_32] : memref<5888x1024xf32, #tpu.memory_space<hbm>> -> memref<5888x1024xf32, #tpu.memory_space<hbm>>
      tpu.wait_indirect_dma semaphore(%arg11 : memref<!tpu.dma_semaphore, #tpu.memory_space<semaphore_mem>>) src(%dma_wait3A_33 : memref<5888x1024xf32, #tpu.memory_space<hbm>>) dst(%arg7 : memref<32x1024xf32, #tpu.memory_space<vmem>>)
      %dma_start3A_34 = arith.constant 0 : i32
      %dma_start3A_35 = tpu.memref_slice %arg4[%add3A_16, %dma_start3A_34] : memref<4096x1024xf32, #tpu.memory_space<hbm>> -> memref<32x1024xf32, #tpu.memory_space<hbm>>
      %dma_start3A_36 = arith.constant 0 : i32
      %dma_start3A_37 = tpu.memref_slice %arg4[%add3A_16, %dma_start3A_36] : memref<4096x1024xf32, #tpu.memory_space<hbm>> -> memref<32x1024xf32, #tpu.memory_space<hbm>>
      tpu.enqueue_dma source(%arg7 : memref<32x1024xf32, #tpu.memory_space<vmem>>) target(%dma_start3A_37 : memref<32x1024xf32, #tpu.memory_space<hbm>>) target_semaphore(%arg13 : memref<!tpu.dma_semaphore, #tpu.memory_space<semaphore_mem>>)
      %dma_wait3A_38 = arith.constant 0 : i32
      %dma_wait3A_39 = arith.constant 0 : i32
      %dma_wait3A_40 = tpu.memref_slice %arg2[%dma_wait3A_38, %dma_wait3A_39] : memref<5888x1024xf32, #tpu.memory_space<hbm>> -> memref<5888x1024xf32, #tpu.memory_space<hbm>>
      tpu.wait_indirect_dma semaphore(%arg12 : memref<!tpu.dma_semaphore, #tpu.memory_space<semaphore_mem>>) src(%dma_wait3A_40 : memref<5888x1024xf32, #tpu.memory_space<hbm>>) dst(%arg8 : memref<32x1024xf32, #tpu.memory_space<vmem>>)
      %add3A_41 = arith.constant 32 : i32
      %add3A_42 = arith.addi %add3A_16, %add3A_41 : i32
      %dma_start3A_43 = arith.constant 0 : i32
      %dma_start3A_44 = tpu.memref_slice %arg4[%add3A_42, %dma_start3A_43] : memref<4096x1024xf32, #tpu.memory_space<hbm>> -> memref<32x1024xf32, #tpu.memory_space<hbm>>
      %dma_start3A_45 = arith.constant 0 : i32
      %dma_start3A_46 = tpu.memref_slice %arg4[%add3A_42, %dma_start3A_45] : memref<4096x1024xf32, #tpu.memory_space<hbm>> -> memref<32x1024xf32, #tpu.memory_space<hbm>>
      tpu.enqueue_dma source(%arg8 : memref<32x1024xf32, #tpu.memory_space<vmem>>) target(%dma_start3A_46 : memref<32x1024xf32, #tpu.memory_space<hbm>>) target_semaphore(%arg14 : memref<!tpu.dma_semaphore, #tpu.memory_space<semaphore_mem>>)
      %dma_wait3A_47 = arith.constant 0 : i32
      %dma_wait3A_48 = tpu.memref_slice %arg4[%add3A_16, %dma_wait3A_47] : memref<4096x1024xf32, #tpu.memory_space<hbm>> -> memref<32x1024xf32, #tpu.memory_space<hbm>>
      %dma_wait3A_49 = arith.constant 0 : i32
      %dma_wait3A_50 = tpu.memref_slice %arg4[%add3A_16, %dma_wait3A_49] : memref<4096x1024xf32, #tpu.memory_space<hbm>> -> memref<32x1024xf32, #tpu.memory_space<hbm>>
      tpu.wait_dma2 semaphore(%arg13 : memref<!tpu.dma_semaphore, #tpu.memory_space<semaphore_mem>>) src(%arg7 : memref<32x1024xf32, #tpu.memory_space<vmem>>) dst(%dma_wait3A_50 : memref<32x1024xf32, #tpu.memory_space<hbm>>)
      %dma_wait3A_51 = arith.constant 0 : i32
      %dma_wait3A_52 = tpu.memref_slice %arg4[%add3A_42, %dma_wait3A_51] : memref<4096x1024xf32, #tpu.memory_space<hbm>> -> memref<32x1024xf32, #tpu.memory_space<hbm>>
      %dma_wait3A_53 = arith.constant 0 : i32
      %dma_wait3A_54 = tpu.memref_slice %arg4[%add3A_42, %dma_wait3A_53] : memref<4096x1024xf32, #tpu.memory_space<hbm>> -> memref<32x1024xf32, #tpu.memory_space<hbm>>
      tpu.wait_dma2 semaphore(%arg14 : memref<!tpu.dma_semaphore, #tpu.memory_space<semaphore_mem>>) src(%arg8 : memref<32x1024xf32, #tpu.memory_space<vmem>>) dst(%dma_wait3A_54 : memref<32x1024xf32, #tpu.memory_space<hbm>>)
    }
    %scan3A_6 = arith.constant 2 : i32
    return
  }
}

module attributes {stable_mosaic.version = 14 : i64} {
  func.func @_route_body(%arg0: i32, %arg1: memref<32x128xi32, #tpu.memory_space<vmem>>, %arg2: memref<32x128xi32, #tpu.memory_space<vmem>>, %arg3: memref<1x64xi32, #tpu.memory_space<vmem>>) attributes {dimension_semantics = [#tpu.dimension_semantics<arbitrary>], iteration_bounds = array<i64: 1>, scalar_prefetch = 0 : i64, scratch_operands = 0 : i64, tpu.core_type = #tpu.core_type<tc>, window_params = [{pipeline_mode = #tpu.pipeline_mode<synchronous>, transform_indices = @transform_0, window_bounds = array<i64: 32, 128>}, {pipeline_mode = #tpu.pipeline_mode<synchronous>, transform_indices = @transform_1, window_bounds = array<i64: 32, 128>}, {pipeline_mode = #tpu.pipeline_mode<synchronous>, transform_indices = @transform_2, window_bounds = array<i64: 1, 64>}]} {
    %get3A = arith.constant 0 : index
    %get3A_0 = arith.constant 0 : index
    %get3A_1 = vector.load %arg1[%get3A, %get3A_0] : memref<32x128xi32, #tpu.memory_space<vmem>>, vector<32x128xi32>
    %iota3A = tpu.iota {dimensions = array<i32: 0>} : vector<128x128xi32>
    %iota3A_2 = tpu.iota {dimensions = array<i32: 1>} : vector<128x128xi32>
    %le3A = arith.cmpi sle, %iota3A, %iota3A_2 : vector<128x128xi32>
    %convert_element_type3A = arith.extui %le3A : vector<128x128xi1> to vector<128x128xi32>
    %convert_element_type3A_3 = arith.sitofp %convert_element_type3A : vector<128x128xi32> to vector<128x128xf32>
    %convert_element_type3A_4 = arith.truncf %convert_element_type3A_3 : vector<128x128xf32> to vector<128x128xbf16>
    %broadcast_in_dim3A = arith.constant 1.000000e+00 : bf16
    %broadcast_in_dim3A_5 = vector.broadcast %broadcast_in_dim3A : bf16 to vector<128x128xbf16>
    %iota3A_6 = tpu.iota {dimensions = array<i32: 0>} : vector<32x32xi32>
    %iota3A_7 = tpu.iota {dimensions = array<i32: 1>} : vector<32x32xi32>
    %lt3A = arith.cmpi slt, %iota3A_7, %iota3A_6 : vector<32x32xi32>
    %convert_element_type3A_8 = arith.extui %lt3A : vector<32x32xi1> to vector<32x32xi32>
    %convert_element_type3A_9 = arith.sitofp %convert_element_type3A_8 : vector<32x32xi32> to vector<32x32xf32>
    %convert_element_type3A_10 = arith.truncf %convert_element_type3A_9 : vector<32x32xf32> to vector<32x32xbf16>
    %broadcast_in_dim3A_11 = arith.constant 0.000000e+00 : f32
    %broadcast_in_dim3A_12 = vector.broadcast %broadcast_in_dim3A_11 : f32 to vector<32x128xf32>
    %broadcast_in_dim3A_13 = arith.constant 0 : i32
    %broadcast_in_dim3A_14 = vector.broadcast %broadcast_in_dim3A_13 : i32 to vector<1x64xi32>
    %iota3A_15 = tpu.iota {dimensions = array<i32: 1>} : vector<1x64xi32>
    %eq3A = arith.constant 0 : i32
    %eq3A_16 = vector.broadcast %eq3A : i32 to vector<32x128xi32>
    %eq3A_17 = arith.cmpi eq, %get3A_1, %eq3A_16 : vector<32x128xi32>
    %convert_element_type3A_18 = arith.extui %eq3A_17 : vector<32x128xi1> to vector<32x128xi32>
    %convert_element_type3A_19 = arith.sitofp %convert_element_type3A_18 : vector<32x128xi32> to vector<32x128xf32>
    %convert_element_type3A_20 = arith.truncf %convert_element_type3A_19 : vector<32x128xf32> to vector<32x128xbf16>
    %dot_general3A = arith.constant dense<0.000000e+00> : vector<32x128xf32>
    %dot_general3A_21 = tpu.matmul %convert_element_type3A_20, %convert_element_type3A_4, %dot_general3A {dimension_numbers = #tpu.dot_dimension_numbers<[1], [0], [0], [1], [0, 0, 1, 1], [], []>, transpose_lhs_hint = false} : vector<32x128xbf16>, vector<128x128xbf16>, vector<32x128xf32> -> vector<32x128xf32>
    %dot_general3A_22 = arith.constant dense<0.000000e+00> : vector<32x128xf32>
    %dot_general3A_23 = tpu.matmul %convert_element_type3A_20, %broadcast_in_dim3A_5, %dot_general3A_22 {dimension_numbers = #tpu.dot_dimension_numbers<[1], [0], [0], [1], [0, 0, 1, 1], [], []>, transpose_lhs_hint = false} : vector<32x128xbf16>, vector<128x128xbf16>, vector<32x128xf32> -> vector<32x128xf32>
    %dot_general3A_24 = arith.constant dense<0.000000e+00> : vector<32x128xf32>
    %dot_general3A_25 = tpu.matmul %convert_element_type3A_10, %dot_general3A_23, %dot_general3A_24 {dimension_numbers = #tpu.dot_dimension_numbers<[1], [0], [0], [1], [0, 0, 1, 1], [], []>, transpose_lhs_hint = false} : vector<32x32xbf16>, vector<32x128xf32>, vector<32x128xf32> -> vector<32x128xf32>
    %add3A = arith.addf %dot_general3A_21, %dot_general3A_25 : vector<32x128xf32>
    %slice3A = vector.extract_strided_slice %dot_general3A_23 {offsets = [0, 0], sizes = [32, 1], strides = [1, 1]} : vector<32x128xf32> to vector<32x1xf32>
    %squeeze3A = vector.shape_cast %slice3A : vector<32x1xf32> to vector<32xf32>
    %convert_element_type3A_26 = arith.fptosi %squeeze3A : vector<32xf32> to vector<32xi32>
    %reduce_sum3A = vector.shape_cast %convert_element_type3A_26 : vector<32xi32> to vector<1x32xi32>
    %reduce_sum3A_27 = arith.constant dense<0> : vector<1xi32>
    %reduce_sum3A_28 = vector.multi_reduction <add>, %reduce_sum3A, %reduce_sum3A_27 [1] : vector<1x32xi32> to vector<1xi32>
    %reduce_sum3A_29 = vector.shape_cast %reduce_sum3A_28 : vector<1xi32> to vector<1x1xi32>
    %reduce_sum3A_30 = vector.extract %reduce_sum3A_29[0, 0] : i32 from vector<1x1xi32>
    %convert_element_type3A_31 = arith.extf %convert_element_type3A_20 : vector<32x128xbf16> to vector<32x128xf32>
    %mul3A = arith.constant 0 : i32
    %mul3A_32 = arith.constant 256 : i32
    %mul3A_33 = arith.muli %mul3A, %mul3A_32 : i32
    %convert_element_type3A_34 = arith.sitofp %mul3A_33 : i32 to f32
    %add3A_35 = vector.broadcast %convert_element_type3A_34 : f32 to vector<32x128xf32>
    %add3A_36 = arith.addf %add3A, %add3A_35 : vector<32x128xf32>
    %mul3A_37 = arith.mulf %convert_element_type3A_31, %add3A_36 : vector<32x128xf32>
    %add3A_38 = arith.addf %broadcast_in_dim3A_12, %mul3A_37 : vector<32x128xf32>
    %ge3A = arith.constant 0 : i32
    %ge3A_39 = vector.broadcast %ge3A : i32 to vector<1x64xi32>
    %ge3A_40 = arith.cmpi sge, %iota3A_15, %ge3A_39 : vector<1x64xi32>
    %jit3A = arith.constant 1 : i32
    %jit3A_41 = arith.constant 0 : i32
    %broadcast_in_dim3A_42 = vector.broadcast %jit3A : i32 to vector<1x64xi32>
    %broadcast_in_dim3A_43 = vector.broadcast %jit3A_41 : i32 to vector<1x64xi32>
    %select_n3A = arith.select %ge3A_40, %broadcast_in_dim3A_42, %broadcast_in_dim3A_43 : vector<1x64xi1>, vector<1x64xi32>
    %add3A_44 = arith.addi %broadcast_in_dim3A_14, %select_n3A : vector<1x64xi32>
    %add3A_45 = arith.constant 255 : i32
    %add3A_46 = arith.addi %reduce_sum3A_30, %add3A_45 : i32
    %jit3A_47 = arith.constant 256 : i32
    %div3A = arith.divsi %add3A_46, %jit3A_47 : i32
    %sign3A = arith.constant 0 : i32
    %sign3A_48 = arith.cmpi sgt, %add3A_46, %sign3A : i32
    %sign3A_49 = arith.extui %sign3A_48 : i1 to i32
    %sign3A_50 = arith.constant 0 : i32
    %sign3A_51 = arith.cmpi slt, %add3A_46, %sign3A_50 : i32
    %sign3A_52 = arith.extui %sign3A_51 : i1 to i32
    %sign3A_53 = arith.subi %sign3A_49, %sign3A_52 : i32
    %sign3A_54 = arith.constant 0 : i32
    %sign3A_55 = arith.cmpi sgt, %jit3A_47, %sign3A_54 : i32
    %sign3A_56 = arith.extui %sign3A_55 : i1 to i32
    %sign3A_57 = arith.constant 0 : i32
    %sign3A_58 = arith.cmpi slt, %jit3A_47, %sign3A_57 : i32
    %sign3A_59 = arith.extui %sign3A_58 : i1 to i32
    %sign3A_60 = arith.subi %sign3A_56, %sign3A_59 : i32
    %ne3A = arith.cmpi ne, %sign3A_53, %sign3A_60 : i32
    %rem3A = arith.remsi %add3A_46, %jit3A_47 : i32
    %ne3A_61 = arith.constant 0 : i32
    %ne3A_62 = arith.cmpi ne, %rem3A, %ne3A_61 : i32
    %and3A = arith.andi %ne3A, %ne3A_62 : i1
    %sub3A = arith.constant 1 : i32
    %sub3A_63 = arith.subi %div3A, %sub3A : i32
    %select_n3A_64 = arith.select %and3A, %sub3A_63, %div3A : i32
    %add3A_65 = arith.constant 0 : i32
    %add3A_66 = arith.addi %add3A_65, %select_n3A_64 : i32
    %eq3A_67 = arith.constant 1 : i32
    %eq3A_68 = vector.broadcast %eq3A_67 : i32 to vector<32x128xi32>
    %eq3A_69 = arith.cmpi eq, %get3A_1, %eq3A_68 : vector<32x128xi32>
    %convert_element_type3A_70 = arith.extui %eq3A_69 : vector<32x128xi1> to vector<32x128xi32>
    %convert_element_type3A_71 = arith.sitofp %convert_element_type3A_70 : vector<32x128xi32> to vector<32x128xf32>
    %convert_element_type3A_72 = arith.truncf %convert_element_type3A_71 : vector<32x128xf32> to vector<32x128xbf16>
    %dot_general3A_73 = arith.constant dense<0.000000e+00> : vector<32x128xf32>
    %dot_general3A_74 = tpu.matmul %convert_element_type3A_72, %convert_element_type3A_4, %dot_general3A_73 {dimension_numbers = #tpu.dot_dimension_numbers<[1], [0], [0], [1], [0, 0, 1, 1], [], []>, transpose_lhs_hint = false} : vector<32x128xbf16>, vector<128x128xbf16>, vector<32x128xf32> -> vector<32x128xf32>
    %dot_general3A_75 = arith.constant dense<0.000000e+00> : vector<32x128xf32>
    %dot_general3A_76 = tpu.matmul %convert_element_type3A_72, %broadcast_in_dim3A_5, %dot_general3A_75 {dimension_numbers = #tpu.dot_dimension_numbers<[1], [0], [0], [1], [0, 0, 1, 1], [], []>, transpose_lhs_hint = false} : vector<32x128xbf16>, vector<128x128xbf16>, vector<32x128xf32> -> vector<32x128xf32>
    %dot_general3A_77 = arith.constant dense<0.000000e+00> : vector<32x128xf32>
    %dot_general3A_78 = tpu.matmul %convert_element_type3A_10, %dot_general3A_76, %dot_general3A_77 {dimension_numbers = #tpu.dot_dimension_numbers<[1], [0], [0], [1], [0, 0, 1, 1], [], []>, transpose_lhs_hint = false} : vector<32x32xbf16>, vector<32x128xf32>, vector<32x128xf32> -> vector<32x128xf32>
    %add3A_79 = arith.addf %dot_general3A_74, %dot_general3A_78 : vector<32x128xf32>
    %slice3A_80 = vector.extract_strided_slice %dot_general3A_76 {offsets = [0, 0], sizes = [32, 1], strides = [1, 1]} : vector<32x128xf32> to vector<32x1xf32>
    %squeeze3A_81 = vector.shape_cast %slice3A_80 : vector<32x1xf32> to vector<32xf32>
    %convert_element_type3A_82 = arith.fptosi %squeeze3A_81 : vector<32xf32> to vector<32xi32>
    %reduce_sum3A_83 = vector.shape_cast %convert_element_type3A_82 : vector<32xi32> to vector<1x32xi32>
    %reduce_sum3A_84 = arith.constant dense<0> : vector<1xi32>
    %reduce_sum3A_85 = vector.multi_reduction <add>, %reduce_sum3A_83, %reduce_sum3A_84 [1] : vector<1x32xi32> to vector<1xi32>
    %reduce_sum3A_86 = vector.shape_cast %reduce_sum3A_85 : vector<1xi32> to vector<1x1xi32>
    %reduce_sum3A_87 = vector.extract %reduce_sum3A_86[0, 0] : i32 from vector<1x1xi32>
    %convert_element_type3A_88 = arith.extf %convert_element_type3A_72 : vector<32x128xbf16> to vector<32x128xf32>
    %mul3A_89 = arith.constant 256 : i32
    %mul3A_90 = arith.muli %add3A_66, %mul3A_89 : i32
    %convert_element_type3A_91 = arith.sitofp %mul3A_90 : i32 to f32
    %add3A_92 = vector.broadcast %convert_element_type3A_91 : f32 to vector<32x128xf32>
    %add3A_93 = arith.addf %add3A_79, %add3A_92 : vector<32x128xf32>
    %mul3A_94 = arith.mulf %convert_element_type3A_88, %add3A_93 : vector<32x128xf32>
    %add3A_95 = arith.addf %add3A_38, %mul3A_94 : vector<32x128xf32>
    %ge3A_96 = vector.broadcast %add3A_66 : i32 to vector<1x64xi32>
    %ge3A_97 = arith.cmpi sge, %iota3A_15, %ge3A_96 : vector<1x64xi32>
    %jit3A_98 = arith.constant 1 : i32
    %jit3A_99 = arith.constant 0 : i32
    %broadcast_in_dim3A_100 = vector.broadcast %jit3A_98 : i32 to vector<1x64xi32>
    %broadcast_in_dim3A_101 = vector.broadcast %jit3A_99 : i32 to vector<1x64xi32>
    %select_n3A_102 = arith.select %ge3A_97, %broadcast_in_dim3A_100, %broadcast_in_dim3A_101 : vector<1x64xi1>, vector<1x64xi32>
    %add3A_103 = arith.addi %add3A_44, %select_n3A_102 : vector<1x64xi32>
    %add3A_104 = arith.constant 255 : i32
    %add3A_105 = arith.addi %reduce_sum3A_87, %add3A_104 : i32
    %jit3A_106 = arith.constant 256 : i32
    %div3A_107 = arith.divsi %add3A_105, %jit3A_106 : i32
    %sign3A_108 = arith.constant 0 : i32
    %sign3A_109 = arith.cmpi sgt, %add3A_105, %sign3A_108 : i32
    %sign3A_110 = arith.extui %sign3A_109 : i1 to i32
    %sign3A_111 = arith.constant 0 : i32
    %sign3A_112 = arith.cmpi slt, %add3A_105, %sign3A_111 : i32
    %sign3A_113 = arith.extui %sign3A_112 : i1 to i32
    %sign3A_114 = arith.subi %sign3A_110, %sign3A_113 : i32
    %sign3A_115 = arith.constant 0 : i32
    %sign3A_116 = arith.cmpi sgt, %jit3A_106, %sign3A_115 : i32
    %sign3A_117 = arith.extui %sign3A_116 : i1 to i32
    %sign3A_118 = arith.constant 0 : i32
    %sign3A_119 = arith.cmpi slt, %jit3A_106, %sign3A_118 : i32
    %sign3A_120 = arith.extui %sign3A_119 : i1 to i32
    %sign3A_121 = arith.subi %sign3A_117, %sign3A_120 : i32
    %ne3A_122 = arith.cmpi ne, %sign3A_114, %sign3A_121 : i32
    %rem3A_123 = arith.remsi %add3A_105, %jit3A_106 : i32
    %ne3A_124 = arith.constant 0 : i32
    %ne3A_125 = arith.cmpi ne, %rem3A_123, %ne3A_124 : i32
    %and3A_126 = arith.andi %ne3A_122, %ne3A_125 : i1
    %sub3A_127 = arith.constant 1 : i32
    %sub3A_128 = arith.subi %div3A_107, %sub3A_127 : i32
    %select_n3A_129 = arith.select %and3A_126, %sub3A_128, %div3A_107 : i32
    %add3A_130 = arith.addi %add3A_66, %select_n3A_129 : i32
    %eq3A_131 = arith.constant 2 : i32
    %eq3A_132 = vector.broadcast %eq3A_131 : i32 to vector<32x128xi32>
    %eq3A_133 = arith.cmpi eq, %get3A_1, %eq3A_132 : vector<32x128xi32>
    %convert_element_type3A_134 = arith.extui %eq3A_133 : vector<32x128xi1> to vector<32x128xi32>
    %convert_element_type3A_135 = arith.sitofp %convert_element_type3A_134 : vector<32x128xi32> to vector<32x128xf32>
    %convert_element_type3A_136 = arith.truncf %convert_element_type3A_135 : vector<32x128xf32> to vector<32x128xbf16>
    %dot_general3A_137 = arith.constant dense<0.000000e+00> : vector<32x128xf32>
    %dot_general3A_138 = tpu.matmul %convert_element_type3A_136, %convert_element_type3A_4, %dot_general3A_137 {dimension_numbers = #tpu.dot_dimension_numbers<[1], [0], [0], [1], [0, 0, 1, 1], [], []>, transpose_lhs_hint = false} : vector<32x128xbf16>, vector<128x128xbf16>, vector<32x128xf32> -> vector<32x128xf32>
    %dot_general3A_139 = arith.constant dense<0.000000e+00> : vector<32x128xf32>
    %dot_general3A_140 = tpu.matmul %convert_element_type3A_136, %broadcast_in_dim3A_5, %dot_general3A_139 {dimension_numbers = #tpu.dot_dimension_numbers<[1], [0], [0], [1], [0, 0, 1, 1], [], []>, transpose_lhs_hint = false} : vector<32x128xbf16>, vector<128x128xbf16>, vector<32x128xf32> -> vector<32x128xf32>
    %dot_general3A_141 = arith.constant dense<0.000000e+00> : vector<32x128xf32>
    %dot_general3A_142 = tpu.matmul %convert_element_type3A_10, %dot_general3A_140, %dot_general3A_141 {dimension_numbers = #tpu.dot_dimension_numbers<[1], [0], [0], [1], [0, 0, 1, 1], [], []>, transpose_lhs_hint = false} : vector<32x32xbf16>, vector<32x128xf32>, vector<32x128xf32> -> vector<32x128xf32>
    %add3A_143 = arith.addf %dot_general3A_138, %dot_general3A_142 : vector<32x128xf32>
    %slice3A_144 = vector.extract_strided_slice %dot_general3A_140 {offsets = [0, 0], sizes = [32, 1], strides = [1, 1]} : vector<32x128xf32> to vector<32x1xf32>
    %squeeze3A_145 = vector.shape_cast %slice3A_144 : vector<32x1xf32> to vector<32xf32>
    %convert_element_type3A_146 = arith.fptosi %squeeze3A_145 : vector<32xf32> to vector<32xi32>
    %reduce_sum3A_147 = vector.shape_cast %convert_element_type3A_146 : vector<32xi32> to vector<1x32xi32>
    %reduce_sum3A_148 = arith.constant dense<0> : vector<1xi32>
    %reduce_sum3A_149 = vector.multi_reduction <add>, %reduce_sum3A_147, %reduce_sum3A_148 [1] : vector<1x32xi32> to vector<1xi32>
    %reduce_sum3A_150 = vector.shape_cast %reduce_sum3A_149 : vector<1xi32> to vector<1x1xi32>
    %reduce_sum3A_151 = vector.extract %reduce_sum3A_150[0, 0] : i32 from vector<1x1xi32>
    %convert_element_type3A_152 = arith.extf %convert_element_type3A_136 : vector<32x128xbf16> to vector<32x128xf32>
    %mul3A_153 = arith.constant 256 : i32
    %mul3A_154 = arith.muli %add3A_130, %mul3A_153 : i32
    %convert_element_type3A_155 = arith.sitofp %mul3A_154 : i32 to f32
    %add3A_156 = vector.broadcast %convert_element_type3A_155 : f32 to vector<32x128xf32>
    %add3A_157 = arith.addf %add3A_143, %add3A_156 : vector<32x128xf32>
    %mul3A_158 = arith.mulf %convert_element_type3A_152, %add3A_157 : vector<32x128xf32>
    %add3A_159 = arith.addf %add3A_95, %mul3A_158 : vector<32x128xf32>
    %ge3A_160 = vector.broadcast %add3A_130 : i32 to vector<1x64xi32>
    %ge3A_161 = arith.cmpi sge, %iota3A_15, %ge3A_160 : vector<1x64xi32>
    %jit3A_162 = arith.constant 1 : i32
    %jit3A_163 = arith.constant 0 : i32
    %broadcast_in_dim3A_164 = vector.broadcast %jit3A_162 : i32 to vector<1x64xi32>
    %broadcast_in_dim3A_165 = vector.broadcast %jit3A_163 : i32 to vector<1x64xi32>
    %select_n3A_166 = arith.select %ge3A_161, %broadcast_in_dim3A_164, %broadcast_in_dim3A_165 : vector<1x64xi1>, vector<1x64xi32>
    %add3A_167 = arith.addi %add3A_103, %select_n3A_166 : vector<1x64xi32>
    %add3A_168 = arith.constant 255 : i32
    %add3A_169 = arith.addi %reduce_sum3A_151, %add3A_168 : i32
    %jit3A_170 = arith.constant 256 : i32
    %div3A_171 = arith.divsi %add3A_169, %jit3A_170 : i32
    %sign3A_172 = arith.constant 0 : i32
    %sign3A_173 = arith.cmpi sgt, %add3A_169, %sign3A_172 : i32
    %sign3A_174 = arith.extui %sign3A_173 : i1 to i32
    %sign3A_175 = arith.constant 0 : i32
    %sign3A_176 = arith.cmpi slt, %add3A_169, %sign3A_175 : i32
    %sign3A_177 = arith.extui %sign3A_176 : i1 to i32
    %sign3A_178 = arith.subi %sign3A_174, %sign3A_177 : i32
    %sign3A_179 = arith.constant 0 : i32
    %sign3A_180 = arith.cmpi sgt, %jit3A_170, %sign3A_179 : i32
    %sign3A_181 = arith.extui %sign3A_180 : i1 to i32
    %sign3A_182 = arith.constant 0 : i32
    %sign3A_183 = arith.cmpi slt, %jit3A_170, %sign3A_182 : i32
    %sign3A_184 = arith.extui %sign3A_183 : i1 to i32
    %sign3A_185 = arith.subi %sign3A_181, %sign3A_184 : i32
    %ne3A_186 = arith.cmpi ne, %sign3A_178, %sign3A_185 : i32
    %rem3A_187 = arith.remsi %add3A_169, %jit3A_170 : i32
    %ne3A_188 = arith.constant 0 : i32
    %ne3A_189 = arith.cmpi ne, %rem3A_187, %ne3A_188 : i32
    %and3A_190 = arith.andi %ne3A_186, %ne3A_189 : i1
    %sub3A_191 = arith.constant 1 : i32
    %sub3A_192 = arith.subi %div3A_171, %sub3A_191 : i32
    %select_n3A_193 = arith.select %and3A_190, %sub3A_192, %div3A_171 : i32
    %add3A_194 = arith.addi %add3A_130, %select_n3A_193 : i32
    %eq3A_195 = arith.constant 3 : i32
    %eq3A_196 = vector.broadcast %eq3A_195 : i32 to vector<32x128xi32>
    %eq3A_197 = arith.cmpi eq, %get3A_1, %eq3A_196 : vector<32x128xi32>
    %convert_element_type3A_198 = arith.extui %eq3A_197 : vector<32x128xi1> to vector<32x128xi32>
    %convert_element_type3A_199 = arith.sitofp %convert_element_type3A_198 : vector<32x128xi32> to vector<32x128xf32>
    %convert_element_type3A_200 = arith.truncf %convert_element_type3A_199 : vector<32x128xf32> to vector<32x128xbf16>
    %dot_general3A_201 = arith.constant dense<0.000000e+00> : vector<32x128xf32>
    %dot_general3A_202 = tpu.matmul %convert_element_type3A_200, %convert_element_type3A_4, %dot_general3A_201 {dimension_numbers = #tpu.dot_dimension_numbers<[1], [0], [0], [1], [0, 0, 1, 1], [], []>, transpose_lhs_hint = false} : vector<32x128xbf16>, vector<128x128xbf16>, vector<32x128xf32> -> vector<32x128xf32>
    %dot_general3A_203 = arith.constant dense<0.000000e+00> : vector<32x128xf32>
    %dot_general3A_204 = tpu.matmul %convert_element_type3A_200, %broadcast_in_dim3A_5, %dot_general3A_203 {dimension_numbers = #tpu.dot_dimension_numbers<[1], [0], [0], [1], [0, 0, 1, 1], [], []>, transpose_lhs_hint = false} : vector<32x128xbf16>, vector<128x128xbf16>, vector<32x128xf32> -> vector<32x128xf32>
    %dot_general3A_205 = arith.constant dense<0.000000e+00> : vector<32x128xf32>
    %dot_general3A_206 = tpu.matmul %convert_element_type3A_10, %dot_general3A_204, %dot_general3A_205 {dimension_numbers = #tpu.dot_dimension_numbers<[1], [0], [0], [1], [0, 0, 1, 1], [], []>, transpose_lhs_hint = false} : vector<32x32xbf16>, vector<32x128xf32>, vector<32x128xf32> -> vector<32x128xf32>
    %add3A_207 = arith.addf %dot_general3A_202, %dot_general3A_206 : vector<32x128xf32>
    %slice3A_208 = vector.extract_strided_slice %dot_general3A_204 {offsets = [0, 0], sizes = [32, 1], strides = [1, 1]} : vector<32x128xf32> to vector<32x1xf32>
    %squeeze3A_209 = vector.shape_cast %slice3A_208 : vector<32x1xf32> to vector<32xf32>
    %convert_element_type3A_210 = arith.fptosi %squeeze3A_209 : vector<32xf32> to vector<32xi32>
    %reduce_sum3A_211 = vector.shape_cast %convert_element_type3A_210 : vector<32xi32> to vector<1x32xi32>
    %reduce_sum3A_212 = arith.constant dense<0> : vector<1xi32>
    %reduce_sum3A_213 = vector.multi_reduction <add>, %reduce_sum3A_211, %reduce_sum3A_212 [1] : vector<1x32xi32> to vector<1xi32>
    %reduce_sum3A_214 = vector.shape_cast %reduce_sum3A_213 : vector<1xi32> to vector<1x1xi32>
    %reduce_sum3A_215 = vector.extract %reduce_sum3A_214[0, 0] : i32 from vector<1x1xi32>
    %convert_element_type3A_216 = arith.extf %convert_element_type3A_200 : vector<32x128xbf16> to vector<32x128xf32>
    %mul3A_217 = arith.constant 256 : i32
    %mul3A_218 = arith.muli %add3A_194, %mul3A_217 : i32
    %convert_element_type3A_219 = arith.sitofp %mul3A_218 : i32 to f32
    %add3A_220 = vector.broadcast %convert_element_type3A_219 : f32 to vector<32x128xf32>
    %add3A_221 = arith.addf %add3A_207, %add3A_220 : vector<32x128xf32>
    %mul3A_222 = arith.mulf %convert_element_type3A_216, %add3A_221 : vector<32x128xf32>
    %add3A_223 = arith.addf %add3A_159, %mul3A_222 : vector<32x128xf32>
    %ge3A_224 = vector.broadcast %add3A_194 : i32 to vector<1x64xi32>
    %ge3A_225 = arith.cmpi sge, %iota3A_15, %ge3A_224 : vector<1x64xi32>
    %jit3A_226 = arith.constant 1 : i32
    %jit3A_227 = arith.constant 0 : i32
    %broadcast_in_dim3A_228 = vector.broadcast %jit3A_226 : i32 to vector<1x64xi32>
    %broadcast_in_dim3A_229 = vector.broadcast %jit3A_227 : i32 to vector<1x64xi32>
    %select_n3A_230 = arith.select %ge3A_225, %broadcast_in_dim3A_228, %broadcast_in_dim3A_229 : vector<1x64xi1>, vector<1x64xi32>
    %add3A_231 = arith.addi %add3A_167, %select_n3A_230 : vector<1x64xi32>
    %add3A_232 = arith.constant 255 : i32
    %add3A_233 = arith.addi %reduce_sum3A_215, %add3A_232 : i32
    %jit3A_234 = arith.constant 256 : i32
    %div3A_235 = arith.divsi %add3A_233, %jit3A_234 : i32
    %sign3A_236 = arith.constant 0 : i32
    %sign3A_237 = arith.cmpi sgt, %add3A_233, %sign3A_236 : i32
    %sign3A_238 = arith.extui %sign3A_237 : i1 to i32
    %sign3A_239 = arith.constant 0 : i32
    %sign3A_240 = arith.cmpi slt, %add3A_233, %sign3A_239 : i32
    %sign3A_241 = arith.extui %sign3A_240 : i1 to i32
    %sign3A_242 = arith.subi %sign3A_238, %sign3A_241 : i32
    %sign3A_243 = arith.constant 0 : i32
    %sign3A_244 = arith.cmpi sgt, %jit3A_234, %sign3A_243 : i32
    %sign3A_245 = arith.extui %sign3A_244 : i1 to i32
    %sign3A_246 = arith.constant 0 : i32
    %sign3A_247 = arith.cmpi slt, %jit3A_234, %sign3A_246 : i32
    %sign3A_248 = arith.extui %sign3A_247 : i1 to i32
    %sign3A_249 = arith.subi %sign3A_245, %sign3A_248 : i32
    %ne3A_250 = arith.cmpi ne, %sign3A_242, %sign3A_249 : i32
    %rem3A_251 = arith.remsi %add3A_233, %jit3A_234 : i32
    %ne3A_252 = arith.constant 0 : i32
    %ne3A_253 = arith.cmpi ne, %rem3A_251, %ne3A_252 : i32
    %and3A_254 = arith.andi %ne3A_250, %ne3A_253 : i1
    %sub3A_255 = arith.constant 1 : i32
    %sub3A_256 = arith.subi %div3A_235, %sub3A_255 : i32
    %select_n3A_257 = arith.select %and3A_254, %sub3A_256, %div3A_235 : i32
    %add3A_258 = arith.addi %add3A_194, %select_n3A_257 : i32
    %eq3A_259 = arith.constant 4 : i32
    %eq3A_260 = vector.broadcast %eq3A_259 : i32 to vector<32x128xi32>
    %eq3A_261 = arith.cmpi eq, %get3A_1, %eq3A_260 : vector<32x128xi32>
    %convert_element_type3A_262 = arith.extui %eq3A_261 : vector<32x128xi1> to vector<32x128xi32>
    %convert_element_type3A_263 = arith.sitofp %convert_element_type3A_262 : vector<32x128xi32> to vector<32x128xf32>
    %convert_element_type3A_264 = arith.truncf %convert_element_type3A_263 : vector<32x128xf32> to vector<32x128xbf16>
    %dot_general3A_265 = arith.constant dense<0.000000e+00> : vector<32x128xf32>
    %dot_general3A_266 = tpu.matmul %convert_element_type3A_264, %convert_element_type3A_4, %dot_general3A_265 {dimension_numbers = #tpu.dot_dimension_numbers<[1], [0], [0], [1], [0, 0, 1, 1], [], []>, transpose_lhs_hint = false} : vector<32x128xbf16>, vector<128x128xbf16>, vector<32x128xf32> -> vector<32x128xf32>
    %dot_general3A_267 = arith.constant dense<0.000000e+00> : vector<32x128xf32>
    %dot_general3A_268 = tpu.matmul %convert_element_type3A_264, %broadcast_in_dim3A_5, %dot_general3A_267 {dimension_numbers = #tpu.dot_dimension_numbers<[1], [0], [0], [1], [0, 0, 1, 1], [], []>, transpose_lhs_hint = false} : vector<32x128xbf16>, vector<128x128xbf16>, vector<32x128xf32> -> vector<32x128xf32>
    %dot_general3A_269 = arith.constant dense<0.000000e+00> : vector<32x128xf32>
    %dot_general3A_270 = tpu.matmul %convert_element_type3A_10, %dot_general3A_268, %dot_general3A_269 {dimension_numbers = #tpu.dot_dimension_numbers<[1], [0], [0], [1], [0, 0, 1, 1], [], []>, transpose_lhs_hint = false} : vector<32x32xbf16>, vector<32x128xf32>, vector<32x128xf32> -> vector<32x128xf32>
    %add3A_271 = arith.addf %dot_general3A_266, %dot_general3A_270 : vector<32x128xf32>
    %slice3A_272 = vector.extract_strided_slice %dot_general3A_268 {offsets = [0, 0], sizes = [32, 1], strides = [1, 1]} : vector<32x128xf32> to vector<32x1xf32>
    %squeeze3A_273 = vector.shape_cast %slice3A_272 : vector<32x1xf32> to vector<32xf32>
    %convert_element_type3A_274 = arith.fptosi %squeeze3A_273 : vector<32xf32> to vector<32xi32>
    %reduce_sum3A_275 = vector.shape_cast %convert_element_type3A_274 : vector<32xi32> to vector<1x32xi32>
    %reduce_sum3A_276 = arith.constant dense<0> : vector<1xi32>
    %reduce_sum3A_277 = vector.multi_reduction <add>, %reduce_sum3A_275, %reduce_sum3A_276 [1] : vector<1x32xi32> to vector<1xi32>
    %reduce_sum3A_278 = vector.shape_cast %reduce_sum3A_277 : vector<1xi32> to vector<1x1xi32>
    %reduce_sum3A_279 = vector.extract %reduce_sum3A_278[0, 0] : i32 from vector<1x1xi32>
    %convert_element_type3A_280 = arith.extf %convert_element_type3A_264 : vector<32x128xbf16> to vector<32x128xf32>
    %mul3A_281 = arith.constant 256 : i32
    %mul3A_282 = arith.muli %add3A_258, %mul3A_281 : i32
    %convert_element_type3A_283 = arith.sitofp %mul3A_282 : i32 to f32
    %add3A_284 = vector.broadcast %convert_element_type3A_283 : f32 to vector<32x128xf32>
    %add3A_285 = arith.addf %add3A_271, %add3A_284 : vector<32x128xf32>
    %mul3A_286 = arith.mulf %convert_element_type3A_280, %add3A_285 : vector<32x128xf32>
    %add3A_287 = arith.addf %add3A_223, %mul3A_286 : vector<32x128xf32>
    %ge3A_288 = vector.broadcast %add3A_258 : i32 to vector<1x64xi32>
    %ge3A_289 = arith.cmpi sge, %iota3A_15, %ge3A_288 : vector<1x64xi32>
    %jit3A_290 = arith.constant 1 : i32
    %jit3A_291 = arith.constant 0 : i32
    %broadcast_in_dim3A_292 = vector.broadcast %jit3A_290 : i32 to vector<1x64xi32>
    %broadcast_in_dim3A_293 = vector.broadcast %jit3A_291 : i32 to vector<1x64xi32>
    %select_n3A_294 = arith.select %ge3A_289, %broadcast_in_dim3A_292, %broadcast_in_dim3A_293 : vector<1x64xi1>, vector<1x64xi32>
    %add3A_295 = arith.addi %add3A_231, %select_n3A_294 : vector<1x64xi32>
    %add3A_296 = arith.constant 255 : i32
    %add3A_297 = arith.addi %reduce_sum3A_279, %add3A_296 : i32
    %jit3A_298 = arith.constant 256 : i32
    %div3A_299 = arith.divsi %add3A_297, %jit3A_298 : i32
    %sign3A_300 = arith.constant 0 : i32
    %sign3A_301 = arith.cmpi sgt, %add3A_297, %sign3A_300 : i32
    %sign3A_302 = arith.extui %sign3A_301 : i1 to i32
    %sign3A_303 = arith.constant 0 : i32
    %sign3A_304 = arith.cmpi slt, %add3A_297, %sign3A_303 : i32
    %sign3A_305 = arith.extui %sign3A_304 : i1 to i32
    %sign3A_306 = arith.subi %sign3A_302, %sign3A_305 : i32
    %sign3A_307 = arith.constant 0 : i32
    %sign3A_308 = arith.cmpi sgt, %jit3A_298, %sign3A_307 : i32
    %sign3A_309 = arith.extui %sign3A_308 : i1 to i32
    %sign3A_310 = arith.constant 0 : i32
    %sign3A_311 = arith.cmpi slt, %jit3A_298, %sign3A_310 : i32
    %sign3A_312 = arith.extui %sign3A_311 : i1 to i32
    %sign3A_313 = arith.subi %sign3A_309, %sign3A_312 : i32
    %ne3A_314 = arith.cmpi ne, %sign3A_306, %sign3A_313 : i32
    %rem3A_315 = arith.remsi %add3A_297, %jit3A_298 : i32
    %ne3A_316 = arith.constant 0 : i32
    %ne3A_317 = arith.cmpi ne, %rem3A_315, %ne3A_316 : i32
    %and3A_318 = arith.andi %ne3A_314, %ne3A_317 : i1
    %sub3A_319 = arith.constant 1 : i32
    %sub3A_320 = arith.subi %div3A_299, %sub3A_319 : i32
    %select_n3A_321 = arith.select %and3A_318, %sub3A_320, %div3A_299 : i32
    %add3A_322 = arith.addi %add3A_258, %select_n3A_321 : i32
    %eq3A_323 = arith.constant 5 : i32
    %eq3A_324 = vector.broadcast %eq3A_323 : i32 to vector<32x128xi32>
    %eq3A_325 = arith.cmpi eq, %get3A_1, %eq3A_324 : vector<32x128xi32>
    %convert_element_type3A_326 = arith.extui %eq3A_325 : vector<32x128xi1> to vector<32x128xi32>
    %convert_element_type3A_327 = arith.sitofp %convert_element_type3A_326 : vector<32x128xi32> to vector<32x128xf32>
    %convert_element_type3A_328 = arith.truncf %convert_element_type3A_327 : vector<32x128xf32> to vector<32x128xbf16>
    %dot_general3A_329 = arith.constant dense<0.000000e+00> : vector<32x128xf32>
    %dot_general3A_330 = tpu.matmul %convert_element_type3A_328, %convert_element_type3A_4, %dot_general3A_329 {dimension_numbers = #tpu.dot_dimension_numbers<[1], [0], [0], [1], [0, 0, 1, 1], [], []>, transpose_lhs_hint = false} : vector<32x128xbf16>, vector<128x128xbf16>, vector<32x128xf32> -> vector<32x128xf32>
    %dot_general3A_331 = arith.constant dense<0.000000e+00> : vector<32x128xf32>
    %dot_general3A_332 = tpu.matmul %convert_element_type3A_328, %broadcast_in_dim3A_5, %dot_general3A_331 {dimension_numbers = #tpu.dot_dimension_numbers<[1], [0], [0], [1], [0, 0, 1, 1], [], []>, transpose_lhs_hint = false} : vector<32x128xbf16>, vector<128x128xbf16>, vector<32x128xf32> -> vector<32x128xf32>
    %dot_general3A_333 = arith.constant dense<0.000000e+00> : vector<32x128xf32>
    %dot_general3A_334 = tpu.matmul %convert_element_type3A_10, %dot_general3A_332, %dot_general3A_333 {dimension_numbers = #tpu.dot_dimension_numbers<[1], [0], [0], [1], [0, 0, 1, 1], [], []>, transpose_lhs_hint = false} : vector<32x32xbf16>, vector<32x128xf32>, vector<32x128xf32> -> vector<32x128xf32>
    %add3A_335 = arith.addf %dot_general3A_330, %dot_general3A_334 : vector<32x128xf32>
    %slice3A_336 = vector.extract_strided_slice %dot_general3A_332 {offsets = [0, 0], sizes = [32, 1], strides = [1, 1]} : vector<32x128xf32> to vector<32x1xf32>
    %squeeze3A_337 = vector.shape_cast %slice3A_336 : vector<32x1xf32> to vector<32xf32>
    %convert_element_type3A_338 = arith.fptosi %squeeze3A_337 : vector<32xf32> to vector<32xi32>
    %reduce_sum3A_339 = vector.shape_cast %convert_element_type3A_338 : vector<32xi32> to vector<1x32xi32>
    %reduce_sum3A_340 = arith.constant dense<0> : vector<1xi32>
    %reduce_sum3A_341 = vector.multi_reduction <add>, %reduce_sum3A_339, %reduce_sum3A_340 [1] : vector<1x32xi32> to vector<1xi32>
    %reduce_sum3A_342 = vector.shape_cast %reduce_sum3A_341 : vector<1xi32> to vector<1x1xi32>
    %reduce_sum3A_343 = vector.extract %reduce_sum3A_342[0, 0] : i32 from vector<1x1xi32>
    %convert_element_type3A_344 = arith.extf %convert_element_type3A_328 : vector<32x128xbf16> to vector<32x128xf32>
    %mul3A_345 = arith.constant 256 : i32
    %mul3A_346 = arith.muli %add3A_322, %mul3A_345 : i32
    %convert_element_type3A_347 = arith.sitofp %mul3A_346 : i32 to f32
    %add3A_348 = vector.broadcast %convert_element_type3A_347 : f32 to vector<32x128xf32>
    %add3A_349 = arith.addf %add3A_335, %add3A_348 : vector<32x128xf32>
    %mul3A_350 = arith.mulf %convert_element_type3A_344, %add3A_349 : vector<32x128xf32>
    %add3A_351 = arith.addf %add3A_287, %mul3A_350 : vector<32x128xf32>
    %ge3A_352 = vector.broadcast %add3A_322 : i32 to vector<1x64xi32>
    %ge3A_353 = arith.cmpi sge, %iota3A_15, %ge3A_352 : vector<1x64xi32>
    %jit3A_354 = arith.constant 1 : i32
    %jit3A_355 = arith.constant 0 : i32
    %broadcast_in_dim3A_356 = vector.broadcast %jit3A_354 : i32 to vector<1x64xi32>
    %broadcast_in_dim3A_357 = vector.broadcast %jit3A_355 : i32 to vector<1x64xi32>
    %select_n3A_358 = arith.select %ge3A_353, %broadcast_in_dim3A_356, %broadcast_in_dim3A_357 : vector<1x64xi1>, vector<1x64xi32>
    %add3A_359 = arith.addi %add3A_295, %select_n3A_358 : vector<1x64xi32>
    %add3A_360 = arith.constant 255 : i32
    %add3A_361 = arith.addi %reduce_sum3A_343, %add3A_360 : i32
    %jit3A_362 = arith.constant 256 : i32
    %div3A_363 = arith.divsi %add3A_361, %jit3A_362 : i32
    %sign3A_364 = arith.constant 0 : i32
    %sign3A_365 = arith.cmpi sgt, %add3A_361, %sign3A_364 : i32
    %sign3A_366 = arith.extui %sign3A_365 : i1 to i32
    %sign3A_367 = arith.constant 0 : i32
    %sign3A_368 = arith.cmpi slt, %add3A_361, %sign3A_367 : i32
    %sign3A_369 = arith.extui %sign3A_368 : i1 to i32
    %sign3A_370 = arith.subi %sign3A_366, %sign3A_369 : i32
    %sign3A_371 = arith.constant 0 : i32
    %sign3A_372 = arith.cmpi sgt, %jit3A_362, %sign3A_371 : i32
    %sign3A_373 = arith.extui %sign3A_372 : i1 to i32
    %sign3A_374 = arith.constant 0 : i32
    %sign3A_375 = arith.cmpi slt, %jit3A_362, %sign3A_374 : i32
    %sign3A_376 = arith.extui %sign3A_375 : i1 to i32
    %sign3A_377 = arith.subi %sign3A_373, %sign3A_376 : i32
    %ne3A_378 = arith.cmpi ne, %sign3A_370, %sign3A_377 : i32
    %rem3A_379 = arith.remsi %add3A_361, %jit3A_362 : i32
    %ne3A_380 = arith.constant 0 : i32
    %ne3A_381 = arith.cmpi ne, %rem3A_379, %ne3A_380 : i32
    %and3A_382 = arith.andi %ne3A_378, %ne3A_381 : i1
    %sub3A_383 = arith.constant 1 : i32
    %sub3A_384 = arith.subi %div3A_363, %sub3A_383 : i32
    %select_n3A_385 = arith.select %and3A_382, %sub3A_384, %div3A_363 : i32
    %add3A_386 = arith.addi %add3A_322, %select_n3A_385 : i32
    %eq3A_387 = arith.constant 6 : i32
    %eq3A_388 = vector.broadcast %eq3A_387 : i32 to vector<32x128xi32>
    %eq3A_389 = arith.cmpi eq, %get3A_1, %eq3A_388 : vector<32x128xi32>
    %convert_element_type3A_390 = arith.extui %eq3A_389 : vector<32x128xi1> to vector<32x128xi32>
    %convert_element_type3A_391 = arith.sitofp %convert_element_type3A_390 : vector<32x128xi32> to vector<32x128xf32>
    %convert_element_type3A_392 = arith.truncf %convert_element_type3A_391 : vector<32x128xf32> to vector<32x128xbf16>
    %dot_general3A_393 = arith.constant dense<0.000000e+00> : vector<32x128xf32>
    %dot_general3A_394 = tpu.matmul %convert_element_type3A_392, %convert_element_type3A_4, %dot_general3A_393 {dimension_numbers = #tpu.dot_dimension_numbers<[1], [0], [0], [1], [0, 0, 1, 1], [], []>, transpose_lhs_hint = false} : vector<32x128xbf16>, vector<128x128xbf16>, vector<32x128xf32> -> vector<32x128xf32>
    %dot_general3A_395 = arith.constant dense<0.000000e+00> : vector<32x128xf32>
    %dot_general3A_396 = tpu.matmul %convert_element_type3A_392, %broadcast_in_dim3A_5, %dot_general3A_395 {dimension_numbers = #tpu.dot_dimension_numbers<[1], [0], [0], [1], [0, 0, 1, 1], [], []>, transpose_lhs_hint = false} : vector<32x128xbf16>, vector<128x128xbf16>, vector<32x128xf32> -> vector<32x128xf32>
    %dot_general3A_397 = arith.constant dense<0.000000e+00> : vector<32x128xf32>
    %dot_general3A_398 = tpu.matmul %convert_element_type3A_10, %dot_general3A_396, %dot_general3A_397 {dimension_numbers = #tpu.dot_dimension_numbers<[1], [0], [0], [1], [0, 0, 1, 1], [], []>, transpose_lhs_hint = false} : vector<32x32xbf16>, vector<32x128xf32>, vector<32x128xf32> -> vector<32x128xf32>
    %add3A_399 = arith.addf %dot_general3A_394, %dot_general3A_398 : vector<32x128xf32>
    %slice3A_400 = vector.extract_strided_slice %dot_general3A_396 {offsets = [0, 0], sizes = [32, 1], strides = [1, 1]} : vector<32x128xf32> to vector<32x1xf32>
    %squeeze3A_401 = vector.shape_cast %slice3A_400 : vector<32x1xf32> to vector<32xf32>
    %convert_element_type3A_402 = arith.fptosi %squeeze3A_401 : vector<32xf32> to vector<32xi32>
    %reduce_sum3A_403 = vector.shape_cast %convert_element_type3A_402 : vector<32xi32> to vector<1x32xi32>
    %reduce_sum3A_404 = arith.constant dense<0> : vector<1xi32>
    %reduce_sum3A_405 = vector.multi_reduction <add>, %reduce_sum3A_403, %reduce_sum3A_404 [1] : vector<1x32xi32> to vector<1xi32>
    %reduce_sum3A_406 = vector.shape_cast %reduce_sum3A_405 : vector<1xi32> to vector<1x1xi32>
    %reduce_sum3A_407 = vector.extract %reduce_sum3A_406[0, 0] : i32 from vector<1x1xi32>
    %convert_element_type3A_408 = arith.extf %convert_element_type3A_392 : vector<32x128xbf16> to vector<32x128xf32>
    %mul3A_409 = arith.constant 256 : i32
    %mul3A_410 = arith.muli %add3A_386, %mul3A_409 : i32
    %convert_element_type3A_411 = arith.sitofp %mul3A_410 : i32 to f32
    %add3A_412 = vector.broadcast %convert_element_type3A_411 : f32 to vector<32x128xf32>
    %add3A_413 = arith.addf %add3A_399, %add3A_412 : vector<32x128xf32>
    %mul3A_414 = arith.mulf %convert_element_type3A_408, %add3A_413 : vector<32x128xf32>
    %add3A_415 = arith.addf %add3A_351, %mul3A_414 : vector<32x128xf32>
    %ge3A_416 = vector.broadcast %add3A_386 : i32 to vector<1x64xi32>
    %ge3A_417 = arith.cmpi sge, %iota3A_15, %ge3A_416 : vector<1x64xi32>
    %jit3A_418 = arith.constant 1 : i32
    %jit3A_419 = arith.constant 0 : i32
    %broadcast_in_dim3A_420 = vector.broadcast %jit3A_418 : i32 to vector<1x64xi32>
    %broadcast_in_dim3A_421 = vector.broadcast %jit3A_419 : i32 to vector<1x64xi32>
    %select_n3A_422 = arith.select %ge3A_417, %broadcast_in_dim3A_420, %broadcast_in_dim3A_421 : vector<1x64xi1>, vector<1x64xi32>
    %add3A_423 = arith.addi %add3A_359, %select_n3A_422 : vector<1x64xi32>
    %add3A_424 = arith.constant 255 : i32
    %add3A_425 = arith.addi %reduce_sum3A_407, %add3A_424 : i32
    %jit3A_426 = arith.constant 256 : i32
    %div3A_427 = arith.divsi %add3A_425, %jit3A_426 : i32
    %sign3A_428 = arith.constant 0 : i32
    %sign3A_429 = arith.cmpi sgt, %add3A_425, %sign3A_428 : i32
    %sign3A_430 = arith.extui %sign3A_429 : i1 to i32
    %sign3A_431 = arith.constant 0 : i32
    %sign3A_432 = arith.cmpi slt, %add3A_425, %sign3A_431 : i32
    %sign3A_433 = arith.extui %sign3A_432 : i1 to i32
    %sign3A_434 = arith.subi %sign3A_430, %sign3A_433 : i32
    %sign3A_435 = arith.constant 0 : i32
    %sign3A_436 = arith.cmpi sgt, %jit3A_426, %sign3A_435 : i32
    %sign3A_437 = arith.extui %sign3A_436 : i1 to i32
    %sign3A_438 = arith.constant 0 : i32
    %sign3A_439 = arith.cmpi slt, %jit3A_426, %sign3A_438 : i32
    %sign3A_440 = arith.extui %sign3A_439 : i1 to i32
    %sign3A_441 = arith.subi %sign3A_437, %sign3A_440 : i32
    %ne3A_442 = arith.cmpi ne, %sign3A_434, %sign3A_441 : i32
    %rem3A_443 = arith.remsi %add3A_425, %jit3A_426 : i32
    %ne3A_444 = arith.constant 0 : i32
    %ne3A_445 = arith.cmpi ne, %rem3A_443, %ne3A_444 : i32
    %and3A_446 = arith.andi %ne3A_442, %ne3A_445 : i1
    %sub3A_447 = arith.constant 1 : i32
    %sub3A_448 = arith.subi %div3A_427, %sub3A_447 : i32
    %select_n3A_449 = arith.select %and3A_446, %sub3A_448, %div3A_427 : i32
    %add3A_450 = arith.addi %add3A_386, %select_n3A_449 : i32
    %eq3A_451 = arith.constant 7 : i32
    %eq3A_452 = vector.broadcast %eq3A_451 : i32 to vector<32x128xi32>
    %eq3A_453 = arith.cmpi eq, %get3A_1, %eq3A_452 : vector<32x128xi32>
    %convert_element_type3A_454 = arith.extui %eq3A_453 : vector<32x128xi1> to vector<32x128xi32>
    %convert_element_type3A_455 = arith.sitofp %convert_element_type3A_454 : vector<32x128xi32> to vector<32x128xf32>
    %convert_element_type3A_456 = arith.truncf %convert_element_type3A_455 : vector<32x128xf32> to vector<32x128xbf16>
    %dot_general3A_457 = arith.constant dense<0.000000e+00> : vector<32x128xf32>
    %dot_general3A_458 = tpu.matmul %convert_element_type3A_456, %convert_element_type3A_4, %dot_general3A_457 {dimension_numbers = #tpu.dot_dimension_numbers<[1], [0], [0], [1], [0, 0, 1, 1], [], []>, transpose_lhs_hint = false} : vector<32x128xbf16>, vector<128x128xbf16>, vector<32x128xf32> -> vector<32x128xf32>
    %dot_general3A_459 = arith.constant dense<0.000000e+00> : vector<32x128xf32>
    %dot_general3A_460 = tpu.matmul %convert_element_type3A_456, %broadcast_in_dim3A_5, %dot_general3A_459 {dimension_numbers = #tpu.dot_dimension_numbers<[1], [0], [0], [1], [0, 0, 1, 1], [], []>, transpose_lhs_hint = false} : vector<32x128xbf16>, vector<128x128xbf16>, vector<32x128xf32> -> vector<32x128xf32>
    %dot_general3A_461 = arith.constant dense<0.000000e+00> : vector<32x128xf32>
    %dot_general3A_462 = tpu.matmul %convert_element_type3A_10, %dot_general3A_460, %dot_general3A_461 {dimension_numbers = #tpu.dot_dimension_numbers<[1], [0], [0], [1], [0, 0, 1, 1], [], []>, transpose_lhs_hint = false} : vector<32x32xbf16>, vector<32x128xf32>, vector<32x128xf32> -> vector<32x128xf32>
    %add3A_463 = arith.addf %dot_general3A_458, %dot_general3A_462 : vector<32x128xf32>
    %convert_element_type3A_464 = arith.extf %convert_element_type3A_456 : vector<32x128xbf16> to vector<32x128xf32>
    %mul3A_465 = arith.constant 256 : i32
    %mul3A_466 = arith.muli %add3A_450, %mul3A_465 : i32
    %convert_element_type3A_467 = arith.sitofp %mul3A_466 : i32 to f32
    %add3A_468 = vector.broadcast %convert_element_type3A_467 : f32 to vector<32x128xf32>
    %add3A_469 = arith.addf %add3A_463, %add3A_468 : vector<32x128xf32>
    %mul3A_470 = arith.mulf %convert_element_type3A_464, %add3A_469 : vector<32x128xf32>
    %add3A_471 = arith.addf %add3A_415, %mul3A_470 : vector<32x128xf32>
    %ge3A_472 = vector.broadcast %add3A_450 : i32 to vector<1x64xi32>
    %ge3A_473 = arith.cmpi sge, %iota3A_15, %ge3A_472 : vector<1x64xi32>
    %jit3A_474 = arith.constant 1 : i32
    %jit3A_475 = arith.constant 0 : i32
    %broadcast_in_dim3A_476 = vector.broadcast %jit3A_474 : i32 to vector<1x64xi32>
    %broadcast_in_dim3A_477 = vector.broadcast %jit3A_475 : i32 to vector<1x64xi32>
    %select_n3A_478 = arith.select %ge3A_473, %broadcast_in_dim3A_476, %broadcast_in_dim3A_477 : vector<1x64xi1>, vector<1x64xi32>
    %add3A_479 = arith.addi %add3A_423, %select_n3A_478 : vector<1x64xi32>
    %convert_element_type3A_480 = arith.fptosi %add3A_471 : vector<32x128xf32> to vector<32x128xi32>
    %sub3A_481 = arith.constant 1 : i32
    %sub3A_482 = vector.broadcast %sub3A_481 : i32 to vector<32x128xi32>
    %sub3A_483 = arith.subi %convert_element_type3A_480, %sub3A_482 : vector<32x128xi32>
    %swap3A = arith.constant 0 : index
    %swap3A_484 = arith.constant 0 : index
    %swap3A_485 = vector.load %arg2[%swap3A, %swap3A_484] : memref<32x128xi32, #tpu.memory_space<vmem>>, vector<32x128xi32>
    tpu.vector_store %arg2[%swap3A, %swap3A_484], %sub3A_483 {strides = array<i32>} : memref<32x128xi32, #tpu.memory_space<vmem>>, vector<32x128xi32>,
    %sub3A_486 = arith.constant 1 : i32
    %sub3A_487 = vector.broadcast %sub3A_486 : i32 to vector<1x64xi32>
    %sub3A_488 = arith.subi %add3A_479, %sub3A_487 : vector<1x64xi32>
    %jit3A_489 = arith.constant 0 : i32
    %jit3A_490 = arith.constant 7 : i32
    %max3A = vector.broadcast %jit3A_489 : i32 to vector<1x64xi32>
    %max3A_491 = arith.maxsi %max3A, %sub3A_488 : vector<1x64xi32>
    %min3A = vector.broadcast %jit3A_490 : i32 to vector<1x64xi32>
    %min3A_492 = arith.minsi %min3A, %max3A_491 : vector<1x64xi32>
    %swap3A_493 = arith.constant 0 : index
    %swap3A_494 = arith.constant 0 : index
    %swap3A_495 = vector.load %arg3[%swap3A_493, %swap3A_494] : memref<1x64xi32, #tpu.memory_space<vmem>>, vector<1x64xi32>
    tpu.vector_store %arg3[%swap3A_493, %swap3A_494], %min3A_492 {strides = array<i32>} : memref<1x64xi32, #tpu.memory_space<vmem>>, vector<1x64xi32>,
    return
  }
  func.func @transform_0(%arg0: i32) -> (i32, i32) {
    %c0_i32 = arith.constant 0 : i32
    %c0_i32_0 = arith.constant 0 : i32
    %c0_i32_1 = arith.constant 0 : i32
    return %c0_i32, %c0_i32_0 : i32, i32
  }
  func.func @transform_1(%arg0: i32) -> (i32, i32) {
    %c0_i32 = arith.constant 0 : i32
    %c0_i32_0 = arith.constant 0 : i32
    %c0_i32_1 = arith.constant 0 : i32
    return %c0_i32, %c0_i32_0 : i32, i32
  }
  func.func @transform_2(%arg0: i32) -> (i32, i32) {
    %c0_i32 = arith.constant 0 : i32
    %c0_i32_0 = arith.constant 0 : i32
    %c0_i32_1 = arith.constant 0 : i32
    return %c0_i32, %c0_i32_0 : i32, i32
  }
}

module attributes {stable_mosaic.version = 14 : i64} {
  func.func @_mlp_body(%arg0: i32, %arg1: memref<64xi32, #tpu.memory_space<smem>>, %arg2: memref<256x1024xf32, #tpu.memory_space<vmem>>, %arg3: memref<1x1024x400xf32, #tpu.memory_space<vmem>>, %arg4: memref<1x1x400xf32, #tpu.memory_space<vmem>>, %arg5: memref<1x400x1024xf32, #tpu.memory_space<vmem>>, %arg6: memref<1x1x1024xf32, #tpu.memory_space<vmem>>, %arg7: memref<256x1024xf32, #tpu.memory_space<vmem>>) attributes {dimension_semantics = [#tpu.dimension_semantics<arbitrary>], iteration_bounds = array<i64: 23>, scalar_prefetch = 1 : i64, scratch_operands = 0 : i64, tpu.core_type = #tpu.core_type<tc>, window_params = [{transform_indices = @transform_0, window_bounds = array<i64: 256, 1024>}, {transform_indices = @transform_1, window_bounds = array<i64: 1, 1024, 400>}, {transform_indices = @transform_2, window_bounds = array<i64: 1, 1, 400>}, {transform_indices = @transform_3, window_bounds = array<i64: 1, 400, 1024>}, {transform_indices = @transform_4, window_bounds = array<i64: 1, 1, 1024>}, {transform_indices = @transform_5, window_bounds = array<i64: 256, 1024>}]} {
    %get3A = arith.constant 0 : index
    %get3A_0 = arith.constant 0 : index
    %get3A_1 = vector.load %arg2[%get3A, %get3A_0] : memref<256x1024xf32, #tpu.memory_space<vmem>>, vector<256x1024xf32>
    %get3A_2 = arith.constant 0 : index
    %get3A_3 = arith.constant 0 : index
    %get3A_4 = arith.constant 0 : index
    %get3A_5 = vector.load %arg3[%get3A_2, %get3A_3, %get3A_4] : memref<1x1024x400xf32, #tpu.memory_space<vmem>>, vector<1x1024x400xf32>
    %get3A_6 = vector.shape_cast %get3A_5 : vector<1x1024x400xf32> to vector<1024x400xf32>
    %dot_general3A = arith.constant dense<0.000000e+00> : vector<256x400xf32>
    %dot_general3A_7 = tpu.matmul %get3A_1, %get3A_6, %dot_general3A {dimension_numbers = #tpu.dot_dimension_numbers<[1], [0], [0], [1], [0, 0, 1, 1], [], []>, transpose_lhs_hint = false} : vector<256x1024xf32>, vector<1024x400xf32>, vector<256x400xf32> -> vector<256x400xf32>
    %get3A_8 = arith.constant 0 : index
    %get3A_9 = arith.constant 0 : index
    %get3A_10 = arith.constant 0 : index
    %get3A_11 = vector.load %arg4[%get3A_8, %get3A_9, %get3A_10] : memref<1x1x400xf32, #tpu.memory_space<vmem>>, vector<1x1x400xf32>
    %get3A_12 = vector.shape_cast %get3A_11 : vector<1x1x400xf32> to vector<1x400xf32>
    %add3A = vector.broadcast %get3A_12 : vector<1x400xf32> to vector<256x400xf32>
    %add3A_13 = arith.addf %dot_general3A_7, %add3A : vector<256x400xf32>
    %max3A = arith.constant 0.000000e+00 : f32
    %max3A_14 = vector.broadcast %max3A : f32 to vector<256x400xf32>
    %max3A_15 = arith.maximumf %add3A_13, %max3A_14 : vector<256x400xf32>
    %get3A_16 = arith.constant 0 : index
    %get3A_17 = arith.constant 0 : index
    %get3A_18 = arith.constant 0 : index
    %get3A_19 = vector.load %arg5[%get3A_16, %get3A_17, %get3A_18] : memref<1x400x1024xf32, #tpu.memory_space<vmem>>, vector<1x400x1024xf32>
    %get3A_20 = vector.shape_cast %get3A_19 : vector<1x400x1024xf32> to vector<400x1024xf32>
    %dot_general3A_21 = arith.constant dense<0.000000e+00> : vector<256x1024xf32>
    %dot_general3A_22 = tpu.matmul %max3A_15, %get3A_20, %dot_general3A_21 {dimension_numbers = #tpu.dot_dimension_numbers<[1], [0], [0], [1], [0, 0, 1, 1], [], []>, transpose_lhs_hint = false} : vector<256x400xf32>, vector<400x1024xf32>, vector<256x1024xf32> -> vector<256x1024xf32>
    %get3A_23 = arith.constant 0 : index
    %get3A_24 = arith.constant 0 : index
    %get3A_25 = arith.constant 0 : index
    %get3A_26 = vector.load %arg6[%get3A_23, %get3A_24, %get3A_25] : memref<1x1x1024xf32, #tpu.memory_space<vmem>>, vector<1x1x1024xf32>
    %get3A_27 = vector.shape_cast %get3A_26 : vector<1x1x1024xf32> to vector<1x1024xf32>
    %add3A_28 = vector.broadcast %get3A_27 : vector<1x1024xf32> to vector<256x1024xf32>
    %add3A_29 = arith.addf %dot_general3A_22, %add3A_28 : vector<256x1024xf32>
    %logistic3A = arith.negf %add3A_29 : vector<256x1024xf32>
    %logistic3A_30 = math.exp %logistic3A : vector<256x1024xf32>
    %logistic3A_31 = arith.constant 1.000000e+00 : f32
    %logistic3A_32 = vector.broadcast %logistic3A_31 : f32 to vector<256x1024xf32>
    %logistic3A_33 = arith.addf %logistic3A_32, %logistic3A_30 : vector<256x1024xf32>
    %logistic3A_34 = arith.divf %logistic3A_32, %logistic3A_33 : vector<256x1024xf32>
    %swap3A = arith.constant 0 : index
    %swap3A_35 = arith.constant 0 : index
    %swap3A_36 = vector.load %arg7[%swap3A, %swap3A_35] : memref<256x1024xf32, #tpu.memory_space<vmem>>, vector<256x1024xf32>
    tpu.vector_store %arg7[%swap3A, %swap3A_35], %logistic3A_34 {strides = array<i32>} : memref<256x1024xf32, #tpu.memory_space<vmem>>, vector<256x1024xf32>,
    return
  }
  func.func @transform_0(%arg0: i32, %arg1: memref<64xi32, #tpu.memory_space<smem>>) -> (i32, i32) {
    %c0_i32 = arith.constant 0 : i32
    %c0_i32_0 = arith.constant 0 : i32
    return %arg0, %c0_i32 : i32, i32
  }
  func.func @transform_1(%arg0: i32, %arg1: memref<64xi32, #tpu.memory_space<smem>>) -> (i32, i32, i32) {
    %get3A = arith.index_cast %arg0 : i32 to index
    %get3A_0 = memref.load %arg1[%get3A] : memref<64xi32, #tpu.memory_space<smem>>
    %c0_i32 = arith.constant 0 : i32
    %c0_i32_1 = arith.constant 0 : i32
    %c0_i32_2 = arith.constant 0 : i32
    return %get3A_0, %c0_i32, %c0_i32_1 : i32, i32, i32
  }
  func.func @transform_2(%arg0: i32, %arg1: memref<64xi32, #tpu.memory_space<smem>>) -> (i32, i32, i32) {
    %get3A = arith.index_cast %arg0 : i32 to index
    %get3A_0 = memref.load %arg1[%get3A] : memref<64xi32, #tpu.memory_space<smem>>
    %c0_i32 = arith.constant 0 : i32
    %c0_i32_1 = arith.constant 0 : i32
    %c0_i32_2 = arith.constant 0 : i32
    return %get3A_0, %c0_i32, %c0_i32_1 : i32, i32, i32
  }
  func.func @transform_3(%arg0: i32, %arg1: memref<64xi32, #tpu.memory_space<smem>>) -> (i32, i32, i32) {
    %get3A = arith.index_cast %arg0 : i32 to index
    %get3A_0 = memref.load %arg1[%get3A] : memref<64xi32, #tpu.memory_space<smem>>
    %c0_i32 = arith.constant 0 : i32
    %c0_i32_1 = arith.constant 0 : i32
    %c0_i32_2 = arith.constant 0 : i32
    return %get3A_0, %c0_i32, %c0_i32_1 : i32, i32, i32
  }
  func.func @transform_4(%arg0: i32, %arg1: memref<64xi32, #tpu.memory_space<smem>>) -> (i32, i32, i32) {
    %get3A = arith.index_cast %arg0 : i32 to index
    %get3A_0 = memref.load %arg1[%get3A] : memref<64xi32, #tpu.memory_space<smem>>
    %c0_i32 = arith.constant 0 : i32
    %c0_i32_1 = arith.constant 0 : i32
    %c0_i32_2 = arith.constant 0 : i32
    return %get3A_0, %c0_i32, %c0_i32_1 : i32, i32, i32
  }
  func.func @transform_5(%arg0: i32, %arg1: memref<64xi32, #tpu.memory_space<smem>>) -> (i32, i32) {
    %c0_i32 = arith.constant 0 : i32
    %c0_i32_0 = arith.constant 0 : i32
    return %arg0, %c0_i32 : i32, i32
  }
}

</mosaic_0001>

<sc_bundles>
// kernel: kernel.6.cloned.1.call-start
scs
__scs_entry_jumppad:
0x0: {  	(pc) =	sbr.rel $0x88, $3  }
0x1: {  	(tag) =	ssettag $0x0;
	lr =	simm.s32 $0x1  }
0x2: {  	[smem:$0x3F9B] =	sst lr;
	_ =	strace $0xD0000000  }
0x3: {  	_ = 	snop  }
0x4: {  	_ = 	snop  }
0x5: {  	_ = 	snop  }
0x6: {  	_ = 	snop  }
0x7: {  	_ = 	snop  }
__scs_overlays_trampoline_lowered:
0x8: {  	[smem:$0x3FAA] =	sst s0  }
0x9: {  	[smem:$0x3FAB] =	sst s1  }
0xa: {  	[smem:$0x3FAC] =	sst s2  }
0xb: {  	[smem:$0x3FAD] =	sst s3  }
0xc: {  	[smem:$0x3FAE] =	sst s4  }
0xd: {  	[smem:$0x3FAF] =	sst s5  }
0xe: {  	[smem:$0x3FB0] =	sst s6  }
0xf: {  	[smem:$0x3FB1] =	sst s7  }
0x10: {  	[smem:$0x3FB2] =	sst s8  }
0x11: {  	[smem:$0x3FB3] =	sst s9;
	s0 =	simm.s32 @!p0 $0x0  }
0x12: {  	s1 =	sld [smem:$0x3F99];
	s0 =	simm.s32 @p0 $0x1  }
0x13: {  	[smem:$0x3FB4] =	sst s0;
	s0 =	simm.s32 @!p1 $0x0  }
0x14: {  	s2 =	sld [smem:$0x3F98];
	s0 =	simm.s32 @p1 $0x1  }
0x15: {  	[smem:$0x3FB5] =	sst s0;
	s0 =	simm.s32 @!p2 $0x0  }
0x16: {  	s3 =	sld [smem:$0x3FDB];
	s0 =	simm.s32 @p2 $0x1  }
0x17: {  	s4 =	simm.s32 $0x1BF5;
	[smem:$0x3FB7] =	sst s0  }
0x18: {  	s0 =	sld [smem:$0x3F9A];
	_ =	swait.ge [sflag:s4], $0x0  }
0x19: {  	s7 =	sld [smem:$0x3F9B]  }
0x1a: {  	s8 =	sadd.s32 $0xFFFFE003, lr  }
0x1b: {  	s9 =	sadd.s32 $0xFFFFFEF7, lr;
	s5 =	simm.s32 $0xFFFFFFFF;
	p2 =	slt.u32 s8, $0xFFFFF086  }
0x1c: {  	p1 =	slt.u32 s9, $0xF7A;
	s5 =	simm.s32 @!p2 $0x0  }
0x1d: {  	s5 =	simm.s32 @p1 $0x1;
	p0 =	seq.s32 s7, s2  }
0x1e: {  	s7 =	smul.u32 @!p0 $0xF7A, s2;
	p2 =	seq.s32 @!p0 s5, $0x0  }
0x1f: {  	s9 =	smul.u32 $0xF7A, s1;
	s8 =	simm.s32 @!p0 $0x1BF5;
	p2 =	por !p2, p0  }
0x20: {  	[sflag:s8] =	ssyncset.s32 @!p0 $0xFFFFF086;
	s6 =	sadd.s32 @!p0 s3, s7;
	s7 =	simm.s32 @!p0 $0x108  }
0x21: {  	s3 =	sadd.s32 s3, s9;
	s6 =	sadd.s32 @!p0 $0x88, s6;
	s7 =	simm.s32 @p2 $0x1082  }
0x22: {  	[simem:s7], [sflag:s8] =	dma.local @!p0 [hbm:s6], $0xF7A  }
0x23: {  	s9 =	sor.u32 $0xD0000000, s2;
	s6 =	simm.s32 $0x108;
	_ =	swait.ge @!p0 [sflag:s8], $0x0  }
0x24: {  	s3 =	sadd.s32 $0x88, s3;
	s6 =	simm.s32 @!p1 $0x1082;
	[sflag:s4] =	ssyncset.s32 $0xFFFFF086  }
0x25: {  	[simem:s6], [sflag:s4] =	dma.local [hbm:s3], $0xF7A  }
0x26: {  	[smem:$0x3F9B] =	sst s1;
	(tag) =	ssettag s2;
	_ =	strace s9  }
0x27: {  	s1 =	sld [smem:$0x3FAB]  }
0x28: {  	s2 =	sld [smem:$0x3FAC]  }
0x29: {  	s4 =	sld [smem:$0x3FAE]  }
0x2a: {  	p0 =	seq.s32 s5, $0x0;
	s5 =	sld [smem:$0x3FAF]  }
0x2b: {  	s6 =	sld [smem:$0x3FB0]  }
0x2c: {  	s7 =	sld [smem:$0x3FB1]  }
0x2d: {  	s3 =	simm.s32 $0x108;
	s8 =	sld [smem:$0x3FB2]  }
0x2e: {  	s3 =	simm.s32 @!p0 $0x1082;
	s9 =	sld [smem:$0x3FB3]  }
0x2f: {  	lr =	sadd.s32 s0, s3;
	s0 =	sld [smem:$0x3FAA]  }
0x30: {  	s3 =	sld [smem:$0x3FAD]  }
0x31: {  	[smem:$0x3FB6] =	sst s10  }
0x32: {  	s10 =	sld [smem:$0x3FB4];
	_ =	sdelay $0x3  }
0x33: {  	p0 =	seq.s32 s10, $0x1;
	s10 =	sld [smem:$0x3FB6];
	_ =	sdelay $0x3  }
0x34: {  	[smem:$0x3FB6] =	sst s10  }
0x35: {  	s10 =	sld [smem:$0x3FB5];
	_ =	sdelay $0x3  }
0x36: {  	p1 =	seq.s32 s10, $0x1;
	s10 =	sld [smem:$0x3FB6];
	_ =	sdelay $0x3  }
0x37: {  	[smem:$0x3FB6] =	sst s10  }
0x38: {  	s10 =	sld [smem:$0x3FB7]  }
0x39: {  	_ = 	snop;
	(pc) =	sbr.ind lr, $3  }
0x3a: {  	_ = 	snop  }
0x3b: {  	_ = 	snop  }
0x3c: {  	p2 =	seq.s32 s10, $0x1;
	s10 =	sld [smem:$0x3FB6]  }
0x3d: {  	_ =	shalt  }
0x3e: {  	_ =	shalt  }
0x3f: {  	_ =	shalt  }
0x40: {  	_ =	shalt  }
0x41: {  	_ =	shalt  }
0x42: {  	_ =	shalt  }
0x43: {  	_ =	shalt  }
0x44: {  	_ =	shalt  }
0x45: {  	_ =	shalt  }
0x46: {  	_ =	shalt  }
0x47: {  	_ =	shalt  }
0x48: {  	_ =	shalt  }
0x49: {  	_ =	shalt  }
0x4a: {  	_ =	shalt  }
0x4b: {  	_ =	shalt  }
0x4c: {  	_ =	shalt  }
0x4d: {  	_ =	shalt  }
0x4e: {  	_ =	shalt  }
0x4f: {  	_ =	shalt  }
0x50: {  	_ =	shalt  }
0x51: {  	_ =	shalt  }
0x52: {  	_ =	shalt  }
0x53: {  	_ =	shalt  }
0x54: {  	_ =	shalt  }
0x55: {  	_ =	shalt  }
0x56: {  	_ =	shalt  }
0x57: {  	_ =	shalt  }
0x58: {  	_ =	shalt  }
0x59: {  	_ =	shalt  }
0x5a: {  	_ =	shalt  }
0x5b: {  	_ =	shalt  }
0x5c: {  	_ =	shalt  }
0x5d: {  	_ =	shalt  }
0x5e: {  	_ =	shalt  }
0x5f: {  	_ =	shalt  }
0x60: {  	_ =	shalt  }
0x61: {  	_ =	shalt  }
0x62: {  	_ =	shalt  }
0x63: {  	_ =	shalt  }
0x64: {  	_ =	shalt  }
0x65: {  	_ =	shalt  }
0x66: {  	_ =	shalt  }
0x67: {  	_ =	shalt  }
0x68: {  	_ =	shalt  }
0x69: {  	_ =	shalt  }
0x6a: {  	_ =	shalt  }
0x6b: {  	_ =	shalt  }
0x6c: {  	_ =	shalt  }
0x6d: {  	_ =	shalt  }
0x6e: {  	_ =	shalt  }
0x6f: {  	_ =	shalt  }
0x70: {  	_ =	shalt  }
0x71: {  	_ =	shalt  }
0x72: {  	_ =	shalt  }
0x73: {  	_ =	shalt  }
0x74: {  	_ =	shalt  }
0x75: {  	_ =	shalt  }
0x76: {  	_ =	shalt  }
0x77: {  	_ =	shalt  }
0x78: {  	_ =	shalt  }
0x79: {  	_ =	shalt  }
0x7a: {  	_ =	shalt  }
0x7b: {  	_ =	shalt  }
0x7c: {  	_ =	shalt  }
0x7d: {  	_ =	shalt  }
0x7e: {  	_ =	shalt  }
0x7f: {  	_ =	shalt  }
0x80: {  	_ =	shalt  }
0x81: {  	_ =	shalt  }
0x82: {  	_ =	shalt  }
0x83: {  	_ =	shalt  }
0x84: {  	_ =	shalt  }
0x85: {  	_ =	shalt  }
0x86: {  	_ =	shalt  }
0x87: {  	_ =	shalt  }
.Lfunc_end0:
.L_simem_size_0:
called_computation_lowered:
.L_overlay_start_0:
0x88: {  	s2 =	sld [smem:$0x3FD9]  }
0x89: {  	s3 =	sld [smem:$0x3FFE];
	_ =	sdelay $0x1  }
0x8a: {  	s1 =	srdreg.scid  }
0x8b: {  	s0 =	sand.u32 $0x1, s1  }
0x8c: {  	s17 =	sshll.u32 s0, $0xA;
	s2 =	sadd.s32 s3, s2  }
0x8d: {  	s2 =	sadd.s32 s2, s17  }
0x8e: {  	[smem:$0x3FC2] =	sst s2  }
0x8f: {  	_ = 	snop  }
0x90: {  	s2 =	sld [smem:$0x3FC9];
	(tm) =	ssettm $0x1  }
0x91: {  	s18 =	sld [smem:$0x3FFB];
	_ =	sdelay $0x3  }
0x92: {  	_ =	strace s18  }
0x93: {  	s3 =	sld [smem:$0x3FFC];
	_ =	sdelay $0x3  }
0x94: {  	_ =	strace s3  }
0x95: {  	s3 =	sld [smem:$0x3FFD];
	_ =	sdelay $0x3  }
0x96: {  	_ =	strace s3  }
0x97: {  	_ =	strace $0x8FFFFFFF  }
0x98: {  	s19 =	sld [smem:$0x3FDB];
	_ =	sdelay $0x1  }
0x99: {  	s4 =	simm.s32 $_scs_section_size  }
0x9a: {  	s5 =	simm.s32 $_size__tile_overlayer_lowered;
	s6 =	simm.s32 $_tile_overlayer_lowered  }
0x9b: {  	s22 =	simm.s32 $0x1BFF;
	s21 =	sshll.u32 s6, $0x1;
	s3 =	sadd.s32 s4, s19  }
0x9c: {  	s7 =	simm.s32 $0x0;
	s20 =	sshll.u32 s5, $0x1;
	s5 =	sadd.s32 s21, s3  }
0x9d: {  	[timem:s7], [sflag:s22] =	dma.local [hbm:s5], s20  }
0x9e: {  	_ =	swait.ge [sflag:s22], s20  }
0x9f: {  	s4 =	ssub.s32 $0x0, s20;
	[sflag:s22] =	ssyncset.done $0x0  }
0xa0: {  	[sflag:s22] =	ssyncadd.s32 s4;
	_ =	sdelay $0x1  }
0xa1: {  	s23 =	simm.s32 $0x1B8B  }
0xa2: {  	_ =	swait.ge [sflag:s23], $0x1  }
0xa3: {  	[sflag:s23] =	ssyncset.done $0x0  }
0xa4: {  	s25 =	simm.s32 $0x1B8E;
	s24 =	sld [smem:$0x3FFE];
	[sflag:s23] =	ssyncadd.s32 $0xFFFFFFFF  }
0xa5: {  	s26 =	simm.s32 $execute0_lowered;
	[smem:$0x3FD2] =	sst s25  }
0xa6: {  	s5 =	sshll.u32 s26, $0x1;
	_ =	strace $0x80000046;
	[dreg:$0x1] =	wrdreg $0xFFFFFFFF  }
0xa7: {  	s28 =	simm.s32 $_size_execute0_lowered;
	s3 =	sadd.s32 s3, s5;
	[dreg:$0x0] =	wrdreg $0x0  }
0xa8: {  	s5 =	sshll.u32 s28, $0x1;
	[dreg:$0x2] =	wrdreg s3  }
0xa9: {  	[dreg:$0x3] =	wrdreg s5  }
0xaa: {  	[dreg:$0x4] =	wrdreg $0xC0  }
0xab: {  	_ =	task [dreg:s7], $0x5FFFF  }
0xac: {  	[dreg:$0x1] =	wrdreg $0xFFFFFFFF  }
0xad: {  	[dreg:$0x0] =	wrdreg $0x60  }
0xae: {  	[dreg:$0x2] =	wrdreg s2  }
0xaf: {  	[dreg:$0x3] =	wrdreg s24  }
0xb0: {  	[dreg:$0x4] =	wrdreg $0x9  }
0xb1: {  	_ =	task.clear_ibuf [dreg:s7], $0x5FFFF;
	_ =	strace $0x90000046  }
0xb2: {  	s29 =	simm.s32 $0x9;
	_ =	strace $0x80000048  }
0xb3: {  	_ =	swait.ge [sflag:s29], $0x1  }
0xb4: {  	[sflag:s29] =	ssyncadd.s32 $0xFFFFFFFF  }
0xb5: {  	_ =	strace $0x90000048  }
0xb6: {  	_ =	sfence  }
0xb7: {  	s30 =	sld [smem:$0x0];
	_ =	sdelay $0x2  }
0xb8: {  	s31 =	sshll.u32 s1, $0xD;
	s1 =	sshrl.u32 s1, $0x2  }
0xb9: {  	s3 =	sand.u32 $0x4000, s31;
	s1 =	sadd.s32 s1, s30  }
0xba: {  	s0 =	sor.u32 s3, s0;
	s1 =	sshll.u32 s1, $0x11  }
0xbb: {  	s0 =	sor.u32 s1, s0  }
0xbc: {  	s0 =	sadd.s32 $0x8F2B, s0  }
0xbd: {  	[sflag:s0] =	ssyncadd.remote.s32 $0x1  }
0xbe: {  	_ =	sfence.sel $0xFFFF  }
0xbf: {  	[dreg:$0x0] =	wrdreg $0xFFFFFFFF;
	(pc) =	sbr.abs _section_cstart, $3  }
0xc0: {  	[dreg:$0x1] =	wrdreg $0xFFFFFFFF  }
0xc1: {  	_ =	task.clear_ibuf [dreg:s7], $0x2FFFF;
	_ =	strace $0x9FFFFFFF  }
0xc2: {  	(tm) =	ssettm $0x7FFFFFFF  }
0xc3: {  	_ =	shalt  }
tec
execute0_lowered:
.L_overlay_start_1:
0x0: {  	(tag) =	ssettag $0x1  }
0x1: {  	s1 =	rddreg [dreg:$0x0]  }
0x2: {  	s0 =	rddreg [dreg:$0x1];
	s2 =	simm.s32 $0x0;
	s3 =	srdreg.scid  }
0x3: {  	s8 =	stileid.u32;
	s11 =	simm.s32 $0x100;
	s13 =	simm.s32 $0x8100  }
0x4: {  	s14 =	simm.s32 $0x1;
	s15 =	simm.s32 $0x2;
	s17 =	simm.s32 $0xA100  }
0x5: {  	s18 =	simm.s32 $0xA900;
	s19 =	simm.s32 $0xB100;
	s20 =	simm.s32 $0xB900  }
0x6: {  	s21 =	simm.s32 $0xC100;
	s22 =	simm.s32 $0xC900;
	s23 =	simm.s32 $0xD100  }
0x7: {  	s24 =	simm.s32 $0xD900;
	s28 =	simm.s32 $0xF100;
	s29 =	simm.s32 $0xF900  }
0x8: {  	s30 =	simm.s32 $0x5;
	s31 =	simm.s32 $0x6;
	s12 =	simm.s32 $0x0  }
0x9: {  	s16 =	simm.s32 $0x80;
	[smem:$0x7FF] =	sst s2;
	s3 =	sand.u32 $0x1, s3  }
0xa: {  	s4 =	sadd.s32 $0x2400, s0;
	s5 =	sadd.s32 $0x2600, s0;
	s25 =	sshll.u32 s8, $0x8  }
0xb: {  	s8 =	sadd.s32 $0x2800, s0;
	s9 =	sadd.s32 $0x2900, s0;
	s6 =	ssub.s32 $0x2, s3  }
0xc: {  	_ =	strace $0x80000047;
	s3 =	sshll.u32 s3, $0x7;
	s7 =	sshrl.u32 s6, $0x1  }
0xd: {  	v2 =	vlaneseq.u32;
	s10 =	ssub.s32 s6, s7;
	s6 =	sor.u32 s3, s25;
	s7 =	sadd.s32 $0x2700, s0  }
0xe: {  	vm0 =	vmmov $0xffff;
	v1 =	vshrl.u32 v2, $0x3;
	s0 =	simm.s32 $0x3;
	s3 =	simm.s32 $0x4;
	s26 =	smax.u32 s10, $0x1  }
0xf: {  	v0 =	vand.u32 $0x7, v2;
	v2 =	vor.u32 $0x8, v2;
	v1 =	vmul.u32 $0x8, v1;
	s25 =	simm.s32 $0xE100;
	[dreg:$0x3] =	wrdreg s26;
	s26 =	simm.s32 $0xE900  }
.LBB2_1:
0x10: {  	[dreg:$0x4] =	wrdreg s12;
	p0 =	por $0x1, $0x1;
	s10 =	simm.s32 $0x0  }
.LBB2_2:
0x11: {  	s10 =	sor.u32 s6, s10  }
0x12: {  	s12 =	sshrl.u32 s10, $0x3  }
0x13: {  	s12 =	sadd.s32 s4, s12  }
0x14: {  	[tilespmem:s2], [sflag:$0x1] =	stream.linear.gather [hbm4b:s12+s2], $0x20, $0x38;
	[tilespmem:$0x10100] =	vst v63  }
0x15: {  	s12 =	sshll.u32 s10, $0x7  }
0x16: {  	s10 =	sor.u32 $0x20, s10;
	s12 =	sadd.s32 s1, s12  }
0x17: {  	[tilespmem:s11], [sflag:$0x2] =	stream.linear.gather [hbm4b:s12+s2], $0x8000, $0x38;
	[tilespmem:$0x10100] =	vst v63  }
0x18: {  	s12 =	sshrl.u32 s10, $0x3  }
0x19: {  	s10 =	sshll.u32 s10, $0x7;
	s12 =	sadd.s32 s4, s12  }
0x1a: {  	[tilespmem:s16], [sflag:$0x3] =	stream.linear.gather [hbm4b:s12+s2], $0x20, $0x38;
	[tilespmem:$0x10100] =	vst v63  }
0x1b: {  	s10 =	sadd.s32 s1, s10  }
0x1c: {  	[tilespmem:s13], [sflag:$0x4] =	stream.linear.gather [hbm4b:s10+s2], $0x8000, $0x38;
	[tilespmem:$0x10100] =	vst v63  }
0x1d: {  	_ =	swait.ge [sflag:s14], $0x20  }
0x1e: {  	[sflag:s14] =	ssyncset.done $0x0  }
0x1f: {  	[sflag:s14] =	ssyncadd.s32 $0xFFFFFFE0  }
0x20: {  	_ =	swait.ge [sflag:s15], $0x8000  }
0x21: {  	[sflag:s15] =	ssyncset.done $0x0  }
0x22: {  	[sflag:s15] =	ssyncadd.s32 $0xFFFF8000  }
0x23: {  	v3 =	vld [tilespmem:$0x0];
	_ =	sdelay $0x4  }
0x24: {  	v4 =	vshll.u32 v3, $0x3  }
0x25: {  	v3 =	vand.u32 $0x7, v3;
	v4 =	vand.u32 $0xFFFFFFC0, v4  }
0x26: {  	v3 =	vor.u32 v3, v4  }
0x27: {  	v4 =	vperm.xlane v3, v0;
	_ =	sdelay $0x1  }
0x28: {  	v4 =	vadd.s32 v1, v4;
	_ =	sdelay $0x4  }
0x29: {  	[hbm4b:s5+s2] =	stream.indirect_vreg.scatter [tilespmem:s11], [sflag:$0x5], $0x80, v4, vm0, $0xb8;
	[tilespmem:$0x10100] =	vst v63  }
0x2a: {  	s12 =	simm.s32 $0x900;
	v3 =	vperm.xlane v3, v2  }
0x2b: {  	[hbm4b:s7+s2] =	stream.indirect_vreg.scatter [tilespmem:s12], [sflag:$0x5], $0x80, v4, vm0, $0xb8;
	[tilespmem:$0x10100] =	vst v63  }
0x2c: {  	s10 =	simm.s32 $0x1100;
	v3 =	vadd.s32 v1, v3  }
0x2d: {  	[hbm4b:s8+s2] =	stream.indirect_vreg.scatter [tilespmem:s10], [sflag:$0x5], $0x80, v4, vm0, $0xb8;
	[tilespmem:$0x10100] =	vst v63  }
0x2e: {  	s12 =	simm.s32 $0x1900  }
0x2f: {  	[hbm4b:s9+s2] =	stream.indirect_vreg.scatter [tilespmem:s12], [sflag:$0x5], $0x80, v4, vm0, $0xb8;
	[tilespmem:$0x10100] =	vst v63  }
0x30: {  	s10 =	simm.s32 $0x2100  }
0x31: {  	[hbm4b:s5+s2] =	stream.indirect_vreg.scatter [tilespmem:s10], [sflag:$0x5], $0x80, v3, vm0, $0xb8;
	[tilespmem:$0x10100] =	vst v63  }
0x32: {  	s12 =	simm.s32 $0x2900  }
0x33: {  	[hbm4b:s7+s2] =	stream.indirect_vreg.scatter [tilespmem:s12], [sflag:$0x5], $0x80, v3, vm0, $0xb8;
	[tilespmem:$0x10100] =	vst v63  }
0x34: {  	s10 =	simm.s32 $0x3100  }
0x35: {  	[hbm4b:s8+s2] =	stream.indirect_vreg.scatter [tilespmem:s10], [sflag:$0x5], $0x80, v3, vm0, $0xb8;
	[tilespmem:$0x10100] =	vst v63  }
0x36: {  	s12 =	simm.s32 $0x3900  }
0x37: {  	[hbm4b:s9+s2] =	stream.indirect_vreg.scatter [tilespmem:s12], [sflag:$0x5], $0x80, v3, vm0, $0xb8;
	[tilespmem:$0x10100] =	vst v63  }
0x38: {  	v3 =	vld [tilespmem:$0x10];
	_ =	sdelay $0x4  }
0x39: {  	v61 =	vshll.u32 v3, $0x3  }
0x3a: {  	v3 =	vand.u32 $0x7, v3;
	v4 =	vand.u32 $0xFFFFFFC0, v61  }
0x3b: {  	v3 =	vor.u32 v3, v4  }
0x3c: {  	v4 =	vperm.xlane v3, v0;
	_ =	sdelay $0x1  }
0x3d: {  	v4 =	vadd.s32 v1, v4;
	_ =	sdelay $0x3  }
0x3e: {  	s10 =	simm.s32 $0x4100  }
0x3f: {  	[hbm4b:s5+s2] =	stream.indirect_vreg.scatter [tilespmem:s10], [sflag:$0x5], $0x80, v4, vm0, $0xb8;
	[tilespmem:$0x10100] =	vst v63  }
0x40: {  	s12 =	simm.s32 $0x4900;
	v3 =	vperm.xlane v3, v2  }
0x41: {  	[hbm4b:s7+s2] =	stream.indirect_vreg.scatter [tilespmem:s12], [sflag:$0x5], $0x80, v4, vm0, $0xb8;
	[tilespmem:$0x10100] =	vst v63  }
0x42: {  	v3 =	vadd.s32 v1, v3;
	s10 =	simm.s32 $0x5100  }
0x43: {  	[hbm4b:s8+s2] =	stream.indirect_vreg.scatter [tilespmem:s10], [sflag:$0x5], $0x80, v4, vm0, $0xb8;
	[tilespmem:$0x10100] =	vst v63  }
0x44: {  	s12 =	simm.s32 $0x5900  }
0x45: {  	[hbm4b:s9+s2] =	stream.indirect_vreg.scatter [tilespmem:s12], [sflag:$0x5], $0x80, v4, vm0, $0xb8;
	[tilespmem:$0x10100] =	vst v63  }
0x46: {  	s10 =	simm.s32 $0x6100  }
0x47: {  	[hbm4b:s5+s2] =	stream.indirect_vreg.scatter [tilespmem:s10], [sflag:$0x5], $0x80, v3, vm0, $0xb8;
	[tilespmem:$0x10100] =	vst v63  }
0x48: {  	s12 =	simm.s32 $0x6900  }
0x49: {  	[hbm4b:s7+s2] =	stream.indirect_vreg.scatter [tilespmem:s12], [sflag:$0x5], $0x80, v3, vm0, $0xb8;
	[tilespmem:$0x10100] =	vst v63  }
0x4a: {  	s10 =	simm.s32 $0x7100  }
0x4b: {  	[hbm4b:s8+s2] =	stream.indirect_vreg.scatter [tilespmem:s10], [sflag:$0x5], $0x80, v3, vm0, $0xb8;
	[tilespmem:$0x10100] =	vst v63  }
0x4c: {  	s12 =	simm.s32 $0x7900  }
0x4d: {  	[hbm4b:s9+s2] =	stream.indirect_vreg.scatter [tilespmem:s12], [sflag:$0x5], $0x80, v3, vm0, $0xb8;
	[tilespmem:$0x10100] =	vst v63  }
0x4e: {  	_ =	swait.ge [sflag:s0], $0x20  }
0x4f: {  	[sflag:s0] =	ssyncset.done $0x0  }
0x50: {  	[sflag:s0] =	ssyncadd.s32 $0xFFFFFFE0  }
0x51: {  	_ =	swait.ge [sflag:s3], $0x8000  }
0x52: {  	[sflag:s3] =	ssyncset.done $0x0  }
0x53: {  	[sflag:s3] =	ssyncadd.s32 $0xFFFF8000  }
0x54: {  	v3 =	vld [tilespmem:$0x80];
	_ =	sdelay $0x4  }
0x55: {  	v62 =	vshll.u32 v3, $0x3  }
0x56: {  	v3 =	vand.u32 $0x7, v3;
	v4 =	vand.u32 $0xFFFFFFC0, v62  }
0x57: {  	v3 =	vor.u32 v3, v4  }
0x58: {  	v4 =	vperm.xlane v3, v0;
	_ =	sdelay $0x1  }
0x59: {  	v4 =	vadd.s32 v1, v4;
	_ =	sdelay $0x4  }
0x5a: {  	[hbm4b:s5+s2] =	stream.indirect_vreg.scatter [tilespmem:s13], [sflag:$0x6], $0x80, v4, vm0, $0xb8;
	[tilespmem:$0x10100] =	vst v63  }
0x5b: {  	s10 =	simm.s32 $0x8900;
	v3 =	vperm.xlane v3, v2  }
0x5c: {  	[hbm4b:s7+s2] =	stream.indirect_vreg.scatter [tilespmem:s10], [sflag:$0x6], $0x80, v4, vm0, $0xb8;
	[tilespmem:$0x10100] =	vst v63  }
0x5d: {  	s12 =	simm.s32 $0x9100;
	v3 =	vadd.s32 v1, v3  }
0x5e: {  	[hbm4b:s8+s2] =	stream.indirect_vreg.scatter [tilespmem:s12], [sflag:$0x6], $0x80, v4, vm0, $0xb8;
	[tilespmem:$0x10100] =	vst v63  }
0x5f: {  	s12 =	simm.s32 $0x9900  }
0x60: {  	[hbm4b:s9+s2] =	stream.indirect_vreg.scatter [tilespmem:s12], [sflag:$0x6], $0x80, v4, vm0, $0xb8;
	[tilespmem:$0x10100] =	vst v63  }
0x61: {  	_ = 	snop  }
0x62: {  	[hbm4b:s5+s2] =	stream.indirect_vreg.scatter [tilespmem:s17], [sflag:$0x6], $0x80, v3, vm0, $0xb8;
	[tilespmem:$0x10100] =	vst v63  }
0x63: {  	_ = 	snop  }
0x64: {  	[hbm4b:s7+s2] =	stream.indirect_vreg.scatter [tilespmem:s18], [sflag:$0x6], $0x80, v3, vm0, $0xb8;
	[tilespmem:$0x10100] =	vst v63  }
0x65: {  	_ = 	snop  }
0x66: {  	[hbm4b:s8+s2] =	stream.indirect_vreg.scatter [tilespmem:s19], [sflag:$0x6], $0x80, v3, vm0, $0xb8;
	[tilespmem:$0x10100] =	vst v63  }
0x67: {  	_ = 	snop  }
0x68: {  	[hbm4b:s9+s2] =	stream.indirect_vreg.scatter [tilespmem:s20], [sflag:$0x6], $0x80, v3, vm0, $0xb8;
	[tilespmem:$0x10100] =	vst v63  }
0x69: {  	v3 =	vld [tilespmem:$0x90];
	_ =	sdelay $0x4  }
0x6a: {  	v63 =	vshll.u32 v3, $0x3  }
0x6b: {  	v3 =	vand.u32 $0x7, v3;
	v4 =	vand.u32 $0xFFFFFFC0, v63  }
0x6c: {  	v3 =	vor.u32 v3, v4  }
0x6d: {  	v4 =	vperm.xlane v3, v0;
	_ =	sdelay $0x1  }
0x6e: {  	v4 =	vadd.s32 v1, v4;
	_ =	sdelay $0x4  }
0x6f: {  	[hbm4b:s5+s2] =	stream.indirect_vreg.scatter [tilespmem:s21], [sflag:$0x6], $0x80, v4, vm0, $0xb8;
	[tilespmem:$0x10100] =	vst v63  }
0x70: {  	v3 =	vperm.xlane v3, v2  }
0x71: {  	[hbm4b:s7+s2] =	stream.indirect_vreg.scatter [tilespmem:s22], [sflag:$0x6], $0x80, v4, vm0, $0xb8;
	[tilespmem:$0x10100] =	vst v63  }
0x72: {  	v3 =	vadd.s32 v1, v3  }
0x73: {  	[hbm4b:s8+s2] =	stream.indirect_vreg.scatter [tilespmem:s23], [sflag:$0x6], $0x80, v4, vm0, $0xb8;
	[tilespmem:$0x10100] =	vst v63  }
0x74: {  	_ = 	snop  }
0x75: {  	[hbm4b:s9+s2] =	stream.indirect_vreg.scatter [tilespmem:s24], [sflag:$0x6], $0x80, v4, vm0, $0xb8;
	[tilespmem:$0x10100] =	vst v63  }
0x76: {  	_ = 	snop  }
0x77: {  	[hbm4b:s5+s2] =	stream.indirect_vreg.scatter [tilespmem:s25], [sflag:$0x6], $0x80, v3, vm0, $0xb8;
	[tilespmem:$0x10100] =	vst v63  }
0x78: {  	_ = 	snop  }
0x79: {  	[hbm4b:s7+s2] =	stream.indirect_vreg.scatter [tilespmem:s26], [sflag:$0x6], $0x80, v3, vm0, $0xb8;
	[tilespmem:$0x10100] =	vst v63  }
0x7a: {  	_ = 	snop  }
0x7b: {  	[hbm4b:s8+s2] =	stream.indirect_vreg.scatter [tilespmem:s28], [sflag:$0x6], $0x80, v3, vm0, $0xb8;
	[tilespmem:$0x10100] =	vst v63  }
0x7c: {  	_ = 	snop  }
0x7d: {  	[hbm4b:s9+s2] =	stream.indirect_vreg.scatter [tilespmem:s29], [sflag:$0x6], $0x80, v3, vm0, $0xb8;
	[tilespmem:$0x10100] =	vst v63  }
0x7e: {  	p1 =	por p0, p0;
	_ =	swait.ge [sflag:s30], $0x8000  }
.Ltmp0:
0x7f: {  	[sflag:s30] =	ssyncset.done $0x0;
	(pc) =	sbr.rel @p1 .LBB2_2-.Ltmp0, $4  }
0x80: {  	[sflag:s30] =	ssyncadd.s32 $0xFFFF8000  }
0x81: {  	_ =	swait.ge [sflag:s31], $0x8000  }
0x82: {  	[sflag:s31] =	ssyncset.done $0x0  }
0x83: {  	p0 =	por $0x0, $0x0;
	s10 =	simm.s32 $0x40;
	[sflag:s31] =	ssyncadd.s32 $0xFFFF8000  }
0x84: {  	s12 =	rddreg [dreg:$0x4]  }
0x85: {  	s10 =	rddreg [dreg:$0x3];
	s12 =	sadd.s32 $0x1, s12  }
0x86: {  	p0 =	sne.s32 s12, s10  }
.Ltmp1:
0x87: {  	_ = 	snop;
	(pc) =	sbr.rel @p0 .LBB2_1-.Ltmp1, $1  }
0x88: {  	_ =	sdelay $0x3  }
0x89: {  	_ =	sfence.sel $0x180000  }
0x8a: {  	[bflag:$0x0] =	sbarrier.arrive $0xFFFF  }
0x8b: {  	_ =	strace $0x90000047  }
0x8c: {  	s0 =	stileid.u32;
	[bflag:$0x2] =	sbarrier.arrive $0xFFFF  }
0x8d: {  	p0 =	sne.s32 s0, $0x0;
	s0 =	rddreg [dreg:$0x2]  }
0x8e: {  	s0 =	sadd.s32 @!p0 $0x100000, s0  }
0x8f: {  	[sflag:s0] =	ssyncadd.tile.s32 @!p0 $0x1;
	_ =	shalt  }
.Lfunc_end2:
_tile_overlayer_lowered:
.L_overlay_start_2:
0x90: {  	(tag) =	ssettag $0x2  }
0x91: {  	s0 =	rddreg [dreg:$0x0];
	s2 =	stileid.u32  }
0x92: {  	s1 =	rddreg [dreg:$0x1];
	p0 =	sne.s32 s2, $0x0  }
0x93: {  	s3 =	rddreg [dreg:$0x2];
	[bflag:$0x3] =	sbarrier.arrive $0xFFFF;
	s2 =	simm.s32 @!p0 $0x1C07  }
0x94: {  	[timem:s3], [sflag:s2] =	dma.local @!p0 [hbm:s0], s1  }
0x95: {  	s0 =	simm.s32 @!p0 $0x7  }
0x96: {  	_ =	swait.ge @!p0 [sflag:s0], s1  }
0x97: {  	s1 =	ssub.s32 @!p0 $0x0, s1;
	[sflag:s0] =	ssyncset.done @!p0 $0x0  }
0x98: {  	[sflag:s0] =	ssyncadd.s32 @!p0 s1  }
0x99: {  	[bflag:$0x3] =	sbarrier.arrive $0xFFFF  }
0x9a: {  	_ =	shalt  }

// kernel: kernel.9.cloned.1.call-start
scs
__scs_entry_jumppad:
0x0: {  	(pc) =	sbr.rel $0x88, $3  }
0x1: {  	(tag) =	ssettag $0x0;
	lr =	simm.s32 $0x1  }
0x2: {  	[smem:$0x3F9B] =	sst lr;
	_ =	strace $0xD0000000  }
0x3: {  	_ = 	snop  }
0x4: {  	_ = 	snop  }
0x5: {  	_ = 	snop  }
0x6: {  	_ = 	snop  }
0x7: {  	_ = 	snop  }
__scs_overlays_trampoline_lowered:
0x8: {  	[smem:$0x3FAA] =	sst s0  }
0x9: {  	[smem:$0x3FAB] =	sst s1  }
0xa: {  	[smem:$0x3FAC] =	sst s2  }
0xb: {  	[smem:$0x3FAD] =	sst s3  }
0xc: {  	[smem:$0x3FAE] =	sst s4  }
0xd: {  	[smem:$0x3FAF] =	sst s5  }
0xe: {  	[smem:$0x3FB0] =	sst s6  }
0xf: {  	[smem:$0x3FB1] =	sst s7  }
0x10: {  	[smem:$0x3FB2] =	sst s8  }
0x11: {  	[smem:$0x3FB3] =	sst s9;
	s0 =	simm.s32 @!p0 $0x0  }
0x12: {  	s1 =	sld [smem:$0x3F99];
	s0 =	simm.s32 @p0 $0x1  }
0x13: {  	[smem:$0x3FB4] =	sst s0;
	s0 =	simm.s32 @!p1 $0x0  }
0x14: {  	s2 =	sld [smem:$0x3F98];
	s0 =	simm.s32 @p1 $0x1  }
0x15: {  	[smem:$0x3FB5] =	sst s0;
	s0 =	simm.s32 @!p2 $0x0  }
0x16: {  	s3 =	sld [smem:$0x3FDB];
	s0 =	simm.s32 @p2 $0x1  }
0x17: {  	s4 =	simm.s32 $0x1BF5;
	[smem:$0x3FB7] =	sst s0  }
0x18: {  	s0 =	sld [smem:$0x3F9A];
	_ =	swait.ge [sflag:s4], $0x0  }
0x19: {  	s7 =	sld [smem:$0x3F9B]  }
0x1a: {  	s8 =	sadd.s32 $0xFFFFE003, lr  }
0x1b: {  	s9 =	sadd.s32 $0xFFFFFEF7, lr;
	s5 =	simm.s32 $0xFFFFFFFF;
	p2 =	slt.u32 s8, $0xFFFFF086  }
0x1c: {  	p1 =	slt.u32 s9, $0xF7A;
	s5 =	simm.s32 @!p2 $0x0  }
0x1d: {  	s5 =	simm.s32 @p1 $0x1;
	p0 =	seq.s32 s7, s2  }
0x1e: {  	s7 =	smul.u32 @!p0 $0xF7A, s2;
	p2 =	seq.s32 @!p0 s5, $0x0  }
0x1f: {  	s9 =	smul.u32 $0xF7A, s1;
	s8 =	simm.s32 @!p0 $0x1BF5;
	p2 =	por !p2, p0  }
0x20: {  	[sflag:s8] =	ssyncset.s32 @!p0 $0xFFFFF086;
	s6 =	sadd.s32 @!p0 s3, s7;
	s7 =	simm.s32 @!p0 $0x108  }
0x21: {  	s3 =	sadd.s32 s3, s9;
	s6 =	sadd.s32 @!p0 $0x88, s6;
	s7 =	simm.s32 @p2 $0x1082  }
0x22: {  	[simem:s7], [sflag:s8] =	dma.local @!p0 [hbm:s6], $0xF7A  }
0x23: {  	s9 =	sor.u32 $0xD0000000, s2;
	s6 =	simm.s32 $0x108;
	_ =	swait.ge @!p0 [sflag:s8], $0x0  }
0x24: {  	s3 =	sadd.s32 $0x88, s3;
	s6 =	simm.s32 @!p1 $0x1082;
	[sflag:s4] =	ssyncset.s32 $0xFFFFF086  }
0x25: {  	[simem:s6], [sflag:s4] =	dma.local [hbm:s3], $0xF7A  }
0x26: {  	[smem:$0x3F9B] =	sst s1;
	(tag) =	ssettag s2;
	_ =	strace s9  }
0x27: {  	s1 =	sld [smem:$0x3FAB]  }
0x28: {  	s2 =	sld [smem:$0x3FAC]  }
0x29: {  	s4 =	sld [smem:$0x3FAE]  }
0x2a: {  	p0 =	seq.s32 s5, $0x0;
	s5 =	sld [smem:$0x3FAF]  }
0x2b: {  	s6 =	sld [smem:$0x3FB0]  }
0x2c: {  	s7 =	sld [smem:$0x3FB1]  }
0x2d: {  	s3 =	simm.s32 $0x108;
	s8 =	sld [smem:$0x3FB2]  }
0x2e: {  	s3 =	simm.s32 @!p0 $0x1082;
	s9 =	sld [smem:$0x3FB3]  }
0x2f: {  	lr =	sadd.s32 s0, s3;
	s0 =	sld [smem:$0x3FAA]  }
0x30: {  	s3 =	sld [smem:$0x3FAD]  }
0x31: {  	[smem:$0x3FB6] =	sst s10  }
0x32: {  	s10 =	sld [smem:$0x3FB4];
	_ =	sdelay $0x3  }
0x33: {  	p0 =	seq.s32 s10, $0x1;
	s10 =	sld [smem:$0x3FB6];
	_ =	sdelay $0x3  }
0x34: {  	[smem:$0x3FB6] =	sst s10  }
0x35: {  	s10 =	sld [smem:$0x3FB5];
	_ =	sdelay $0x3  }
0x36: {  	p1 =	seq.s32 s10, $0x1;
	s10 =	sld [smem:$0x3FB6];
	_ =	sdelay $0x3  }
0x37: {  	[smem:$0x3FB6] =	sst s10  }
0x38: {  	s10 =	sld [smem:$0x3FB7]  }
0x39: {  	_ = 	snop;
	(pc) =	sbr.ind lr, $3  }
0x3a: {  	_ = 	snop  }
0x3b: {  	_ = 	snop  }
0x3c: {  	p2 =	seq.s32 s10, $0x1;
	s10 =	sld [smem:$0x3FB6]  }
0x3d: {  	_ =	shalt  }
0x3e: {  	_ =	shalt  }
0x3f: {  	_ =	shalt  }
0x40: {  	_ =	shalt  }
0x41: {  	_ =	shalt  }
0x42: {  	_ =	shalt  }
0x43: {  	_ =	shalt  }
0x44: {  	_ =	shalt  }
0x45: {  	_ =	shalt  }
0x46: {  	_ =	shalt  }
0x47: {  	_ =	shalt  }
0x48: {  	_ =	shalt  }
0x49: {  	_ =	shalt  }
0x4a: {  	_ =	shalt  }
0x4b: {  	_ =	shalt  }
0x4c: {  	_ =	shalt  }
0x4d: {  	_ =	shalt  }
0x4e: {  	_ =	shalt  }
0x4f: {  	_ =	shalt  }
0x50: {  	_ =	shalt  }
0x51: {  	_ =	shalt  }
0x52: {  	_ =	shalt  }
0x53: {  	_ =	shalt  }
0x54: {  	_ =	shalt  }
0x55: {  	_ =	shalt  }
0x56: {  	_ =	shalt  }
0x57: {  	_ =	shalt  }
0x58: {  	_ =	shalt  }
0x59: {  	_ =	shalt  }
0x5a: {  	_ =	shalt  }
0x5b: {  	_ =	shalt  }
0x5c: {  	_ =	shalt  }
0x5d: {  	_ =	shalt  }
0x5e: {  	_ =	shalt  }
0x5f: {  	_ =	shalt  }
0x60: {  	_ =	shalt  }
0x61: {  	_ =	shalt  }
0x62: {  	_ =	shalt  }
0x63: {  	_ =	shalt  }
0x64: {  	_ =	shalt  }
0x65: {  	_ =	shalt  }
0x66: {  	_ =	shalt  }
0x67: {  	_ =	shalt  }
0x68: {  	_ =	shalt  }
0x69: {  	_ =	shalt  }
0x6a: {  	_ =	shalt  }
0x6b: {  	_ =	shalt  }
0x6c: {  	_ =	shalt  }
0x6d: {  	_ =	shalt  }
0x6e: {  	_ =	shalt  }
0x6f: {  	_ =	shalt  }
0x70: {  	_ =	shalt  }
0x71: {  	_ =	shalt  }
0x72: {  	_ =	shalt  }
0x73: {  	_ =	shalt  }
0x74: {  	_ =	shalt  }
0x75: {  	_ =	shalt  }
0x76: {  	_ =	shalt  }
0x77: {  	_ =	shalt  }
0x78: {  	_ =	shalt  }
0x79: {  	_ =	shalt  }
0x7a: {  	_ =	shalt  }
0x7b: {  	_ =	shalt  }
0x7c: {  	_ =	shalt  }
0x7d: {  	_ =	shalt  }
0x7e: {  	_ =	shalt  }
0x7f: {  	_ =	shalt  }
0x80: {  	_ =	shalt  }
0x81: {  	_ =	shalt  }
0x82: {  	_ =	shalt  }
0x83: {  	_ =	shalt  }
0x84: {  	_ =	shalt  }
0x85: {  	_ =	shalt  }
0x86: {  	_ =	shalt  }
0x87: {  	_ =	shalt  }
.Lfunc_end0:
.L_simem_size_0:
called_computation.1_lowered:
.L_overlay_start_0:
0x88: {  	s2 =	sld [smem:$0x3FD9]  }
0x89: {  	s3 =	sld [smem:$0x3FFE];
	_ =	sdelay $0x1  }
0x8a: {  	s1 =	srdreg.scid  }
0x8b: {  	s0 =	sand.u32 $0x1, s1  }
0x8c: {  	s17 =	sshll.u32 s0, $0xA;
	s2 =	sadd.s32 s3, s2  }
0x8d: {  	s2 =	sadd.s32 s2, s17  }
0x8e: {  	[smem:$0x3FC2] =	sst s2  }
0x8f: {  	_ = 	snop  }
0x90: {  	s2 =	sld [smem:$0x3FD0];
	(tm) =	ssettm $0x1  }
0x91: {  	s18 =	sld [smem:$0x3FFB];
	_ =	sdelay $0x3  }
0x92: {  	_ =	strace s18  }
0x93: {  	s3 =	sld [smem:$0x3FFC];
	_ =	sdelay $0x3  }
0x94: {  	_ =	strace s3  }
0x95: {  	s3 =	sld [smem:$0x3FFD];
	_ =	sdelay $0x3  }
0x96: {  	_ =	strace s3  }
0x97: {  	_ =	strace $0x8FFFFFFF  }
0x98: {  	s19 =	sld [smem:$0x3FDB];
	_ =	sdelay $0x1  }
0x99: {  	s4 =	simm.s32 $_scs_section_size  }
0x9a: {  	s5 =	simm.s32 $_size__tile_overlayer_lowered;
	s6 =	simm.s32 $_tile_overlayer_lowered  }
0x9b: {  	s22 =	simm.s32 $0x1BFF;
	s21 =	sshll.u32 s6, $0x1;
	s3 =	sadd.s32 s4, s19  }
0x9c: {  	s7 =	simm.s32 $0x0;
	s20 =	sshll.u32 s5, $0x1;
	s5 =	sadd.s32 s21, s3  }
0x9d: {  	[timem:s7], [sflag:s22] =	dma.local [hbm:s5], s20  }
0x9e: {  	_ =	swait.ge [sflag:s22], s20  }
0x9f: {  	s4 =	ssub.s32 $0x0, s20;
	[sflag:s22] =	ssyncset.done $0x0  }
0xa0: {  	[sflag:s22] =	ssyncadd.s32 s4;
	_ =	sdelay $0x1  }
0xa1: {  	s23 =	simm.s32 $0x1B8B  }
0xa2: {  	_ =	swait.ge [sflag:s23], $0x1  }
0xa3: {  	[sflag:s23] =	ssyncset.done $0x0  }
0xa4: {  	s25 =	simm.s32 $0x1B8E;
	s24 =	sld [smem:$0x3FFE];
	[sflag:s23] =	ssyncadd.s32 $0xFFFFFFFF  }
0xa5: {  	s26 =	simm.s32 $execute0_lowered;
	[smem:$0x3FD2] =	sst s25  }
0xa6: {  	s5 =	sshll.u32 s26, $0x1;
	_ =	strace $0x80000049;
	[dreg:$0x1] =	wrdreg $0xFFFFFFFF  }
0xa7: {  	s28 =	simm.s32 $_size_execute0_lowered;
	s3 =	sadd.s32 s3, s5;
	[dreg:$0x0] =	wrdreg $0x0  }
0xa8: {  	s5 =	sshll.u32 s28, $0x1;
	[dreg:$0x2] =	wrdreg s3  }
0xa9: {  	[dreg:$0x3] =	wrdreg s5  }
0xaa: {  	[dreg:$0x4] =	wrdreg $0xC0  }
0xab: {  	_ =	task [dreg:s7], $0x5FFFF  }
0xac: {  	[dreg:$0x1] =	wrdreg $0xFFFFFFFF  }
0xad: {  	[dreg:$0x0] =	wrdreg $0x60  }
0xae: {  	[dreg:$0x2] =	wrdreg s24  }
0xaf: {  	[dreg:$0x3] =	wrdreg s2  }
0xb0: {  	[dreg:$0x4] =	wrdreg $0x9  }
0xb1: {  	_ =	task.clear_ibuf [dreg:s7], $0x5FFFF;
	_ =	strace $0x90000049  }
0xb2: {  	s29 =	simm.s32 $0x9;
	_ =	strace $0x8000004B  }
0xb3: {  	_ =	swait.ge [sflag:s29], $0x1  }
0xb4: {  	[sflag:s29] =	ssyncadd.s32 $0xFFFFFFFF  }
0xb5: {  	_ =	strace $0x9000004B  }
0xb6: {  	_ =	sfence  }
0xb7: {  	s30 =	sld [smem:$0x0];
	_ =	sdelay $0x2  }
0xb8: {  	s31 =	sshll.u32 s1, $0xD;
	s1 =	sshrl.u32 s1, $0x2  }
0xb9: {  	s3 =	sand.u32 $0x4000, s31;
	s1 =	sadd.s32 s1, s30  }
0xba: {  	s0 =	sor.u32 s3, s0;
	s1 =	sshll.u32 s1, $0x11  }
0xbb: {  	s0 =	sor.u32 s1, s0  }
0xbc: {  	s0 =	sadd.s32 $0x8F2B, s0  }
0xbd: {  	[sflag:s0] =	ssyncadd.remote.s32 $0x1  }
0xbe: {  	_ =	sfence.sel $0xFFFF  }
0xbf: {  	[dreg:$0x0] =	wrdreg $0xFFFFFFFF;
	(pc) =	sbr.abs _section_cstart, $3  }
0xc0: {  	[dreg:$0x1] =	wrdreg $0xFFFFFFFF  }
0xc1: {  	_ =	task.clear_ibuf [dreg:s7], $0x2FFFF;
	_ =	strace $0x9FFFFFFF  }
0xc2: {  	(tm) =	ssettm $0x7FFFFFFF  }
0xc3: {  	_ =	shalt  }
tec
execute0_lowered:
.L_overlay_start_1:
0x0: {  	(tag) =	ssettag $0x1  }
0x1: {  	s0 =	rddreg [dreg:$0x0]  }
0x2: {  	s1 =	rddreg [dreg:$0x1];
	s2 =	simm.s32 $0x0  }
0x3: {  	s3 =	srdreg.scid;
	s8 =	stileid.u32;
	s12 =	simm.s32 $0x1  }
0x4: {  	s13 =	simm.s32 $0x100;
	s30 =	simm.s32 $0x2;
	s31 =	simm.s32 $0x8100  }
0x5: {  	s14 =	simm.s32 $0xA900;
	s15 =	simm.s32 $0xB100;
	s16 =	simm.s32 $0xB900  }
0x6: {  	s17 =	simm.s32 $0xC100;
	s18 =	simm.s32 $0xC900;
	s19 =	simm.s32 $0xD100  }
0x7: {  	s20 =	simm.s32 $0xD900;
	s21 =	simm.s32 $0xE100;
	s22 =	simm.s32 $0xE900  }
0x8: {  	s23 =	simm.s32 $0xF100;
	s24 =	simm.s32 $0xF900;
	s28 =	simm.s32 $0x5  }
0x9: {  	s29 =	simm.s32 $0x6;
	s11 =	simm.s32 $0x80;
	[smem:$0x7FF] =	sst s2  }
0xa: {  	s3 =	sand.u32 $0x1, s3;
	s4 =	sadd.s32 $0xBA600, s0;
	s5 =	sadd.s32 $0x2400, s0  }
0xb: {  	s25 =	sshll.u32 s8, $0x8;
	s8 =	sadd.s32 $0xBA800, s0;
	s6 =	ssub.s32 $0x2, s3  }
0xc: {  	s9 =	sadd.s32 $0xBA900, s0;
	s3 =	sshll.u32 s3, $0x7;
	s7 =	sshrl.u32 s6, $0x1  }
0xd: {  	v2 =	vlaneseq.u32;
	_ =	strace $0x8000004A;
	s10 =	ssub.s32 s6, s7;
	s6 =	sor.u32 s3, s25  }
0xe: {  	vm0 =	vmmov $0xffff;
	v1 =	vshrl.u32 v2, $0x3;
	s7 =	sadd.s32 $0xBA700, s0;
	s25 =	simm.s32 $0x3;
	s26 =	smax.u32 s10, $0x1  }
0xf: {  	v0 =	vand.u32 $0x7, v2;
	v2 =	vor.u32 $0x8, v2;
	v1 =	vmul.u32 $0x8, v1;
	s3 =	simm.s32 $0x0;
	[dreg:$0x3] =	wrdreg s26;
	s26 =	simm.s32 $0x4  }
.LBB2_1:
0x10: {  	[dreg:$0x4] =	wrdreg s3;
	p0 =	por $0x1, $0x1;
	s0 =	simm.s32 $0x0  }
.LBB2_2:
0x11: {  	s3 =	sor.u32 s6, s0  }
0x12: {  	s0 =	sshrl.u32 s3, $0x3  }
0x13: {  	s0 =	sadd.s32 s5, s0  }
0x14: {  	[tilespmem:s2], [sflag:$0x1] =	stream.linear.gather [hbm4b:s0+s2], $0x20, $0x38;
	[tilespmem:$0x10100] =	vst v63  }
0x15: {  	s0 =	sor.u32 $0x20, s3  }
0x16: {  	s10 =	sshrl.u32 s0, $0x3  }
0x17: {  	s10 =	sadd.s32 s5, s10  }
0x18: {  	[tilespmem:s11], [sflag:$0x2] =	stream.linear.gather [hbm4b:s10+s2], $0x20, $0x38;
	[tilespmem:$0x10100] =	vst v63  }
0x19: {  	_ =	swait.ge [sflag:s12], $0x20  }
0x1a: {  	[sflag:s12] =	ssyncset.done $0x0  }
0x1b: {  	[sflag:s12] =	ssyncadd.s32 $0xFFFFFFE0  }
0x1c: {  	v3 =	vld [tilespmem:$0x0];
	_ =	sdelay $0x4  }
0x1d: {  	v4 =	vshll.u32 v3, $0x3  }
0x1e: {  	v3 =	vand.u32 $0x7, v3;
	v4 =	vand.u32 $0xFFFFFFC0, v4  }
0x1f: {  	v3 =	vor.u32 v3, v4  }
0x20: {  	v4 =	vperm.xlane v3, v0;
	_ =	sdelay $0x1  }
0x21: {  	v4 =	vadd.s32 v1, v4;
	_ =	sdelay $0x4  }
0x22: {  	[tilespmem:s13], [sflag:$0x3] =	stream.indirect_vreg.gather [hbm4b:s4+s2], $0x80, v4, vm0, $0xb8;
	[tilespmem:$0x10100] =	vst v63  }
0x23: {  	s10 =	simm.s32 $0x900;
	v3 =	vperm.xlane v3, v2  }
0x24: {  	[tilespmem:s10], [sflag:$0x3] =	stream.indirect_vreg.gather [hbm4b:s7+s2], $0x80, v4, vm0, $0xb8;
	[tilespmem:$0x10100] =	vst v63  }
0x25: {  	v3 =	vadd.s32 v1, v3;
	s10 =	simm.s32 $0x1100  }
0x26: {  	[tilespmem:s10], [sflag:$0x3] =	stream.indirect_vreg.gather [hbm4b:s8+s2], $0x80, v4, vm0, $0xb8;
	[tilespmem:$0x10100] =	vst v63  }
0x27: {  	s10 =	simm.s32 $0x1900  }
0x28: {  	[tilespmem:s10], [sflag:$0x3] =	stream.indirect_vreg.gather [hbm4b:s9+s2], $0x80, v4, vm0, $0xb8;
	[tilespmem:$0x10100] =	vst v63  }
0x29: {  	s10 =	simm.s32 $0x2100  }
0x2a: {  	[tilespmem:s10], [sflag:$0x3] =	stream.indirect_vreg.gather [hbm4b:s4+s2], $0x80, v3, vm0, $0xb8;
	[tilespmem:$0x10100] =	vst v63  }
0x2b: {  	s10 =	simm.s32 $0x2900  }
0x2c: {  	[tilespmem:s10], [sflag:$0x3] =	stream.indirect_vreg.gather [hbm4b:s7+s2], $0x80, v3, vm0, $0xb8;
	[tilespmem:$0x10100] =	vst v63  }
0x2d: {  	s10 =	simm.s32 $0x3100  }
0x2e: {  	[tilespmem:s10], [sflag:$0x3] =	stream.indirect_vreg.gather [hbm4b:s8+s2], $0x80, v3, vm0, $0xb8;
	[tilespmem:$0x10100] =	vst v63  }
0x2f: {  	s10 =	simm.s32 $0x3900  }
0x30: {  	[tilespmem:s10], [sflag:$0x3] =	stream.indirect_vreg.gather [hbm4b:s9+s2], $0x80, v3, vm0, $0xb8;
	[tilespmem:$0x10100] =	vst v63  }
0x31: {  	v3 =	vld [tilespmem:$0x10];
	_ =	sdelay $0x4  }
0x32: {  	v61 =	vshll.u32 v3, $0x3  }
0x33: {  	v3 =	vand.u32 $0x7, v3;
	v4 =	vand.u32 $0xFFFFFFC0, v61  }
0x34: {  	v3 =	vor.u32 v3, v4  }
0x35: {  	v4 =	vperm.xlane v3, v0;
	_ =	sdelay $0x1  }
0x36: {  	v4 =	vadd.s32 v1, v4;
	_ =	sdelay $0x3  }
0x37: {  	s10 =	simm.s32 $0x4100  }
0x38: {  	[tilespmem:s10], [sflag:$0x3] =	stream.indirect_vreg.gather [hbm4b:s4+s2], $0x80, v4, vm0, $0xb8;
	[tilespmem:$0x10100] =	vst v63  }
0x39: {  	v3 =	vperm.xlane v3, v2;
	s10 =	simm.s32 $0x4900  }
0x3a: {  	[tilespmem:s10], [sflag:$0x3] =	stream.indirect_vreg.gather [hbm4b:s7+s2], $0x80, v4, vm0, $0xb8;
	[tilespmem:$0x10100] =	vst v63  }
0x3b: {  	v3 =	vadd.s32 v1, v3;
	s10 =	simm.s32 $0x5100  }
0x3c: {  	[tilespmem:s10], [sflag:$0x3] =	stream.indirect_vreg.gather [hbm4b:s8+s2], $0x80, v4, vm0, $0xb8;
	[tilespmem:$0x10100] =	vst v63  }
0x3d: {  	s10 =	simm.s32 $0x5900  }
0x3e: {  	[tilespmem:s10], [sflag:$0x3] =	stream.indirect_vreg.gather [hbm4b:s9+s2], $0x80, v4, vm0, $0xb8;
	[tilespmem:$0x10100] =	vst v63  }
0x3f: {  	s10 =	simm.s32 $0x6100  }
0x40: {  	[tilespmem:s10], [sflag:$0x3] =	stream.indirect_vreg.gather [hbm4b:s4+s2], $0x80, v3, vm0, $0xb8;
	[tilespmem:$0x10100] =	vst v63  }
0x41: {  	s10 =	simm.s32 $0x6900  }
0x42: {  	[tilespmem:s10], [sflag:$0x3] =	stream.indirect_vreg.gather [hbm4b:s7+s2], $0x80, v3, vm0, $0xb8;
	[tilespmem:$0x10100] =	vst v63  }
0x43: {  	s10 =	simm.s32 $0x7100  }
0x44: {  	[tilespmem:s10], [sflag:$0x3] =	stream.indirect_vreg.gather [hbm4b:s8+s2], $0x80, v3, vm0, $0xb8;
	[tilespmem:$0x10100] =	vst v63  }
0x45: {  	s10 =	simm.s32 $0x7900  }
0x46: {  	[tilespmem:s10], [sflag:$0x3] =	stream.indirect_vreg.gather [hbm4b:s9+s2], $0x80, v3, vm0, $0xb8;
	[tilespmem:$0x10100] =	vst v63  }
0x47: {  	_ =	swait.ge [sflag:s30], $0x20  }
0x48: {  	[sflag:s30] =	ssyncset.done $0x0  }
0x49: {  	[sflag:s30] =	ssyncadd.s32 $0xFFFFFFE0  }
0x4a: {  	v3 =	vld [tilespmem:$0x80];
	_ =	sdelay $0x4  }
0x4b: {  	v62 =	vshll.u32 v3, $0x3  }
0x4c: {  	v3 =	vand.u32 $0x7, v3;
	v4 =	vand.u32 $0xFFFFFFC0, v62  }
0x4d: {  	v3 =	vor.u32 v3, v4  }
0x4e: {  	v4 =	vperm.xlane v3, v0;
	_ =	sdelay $0x1  }
0x4f: {  	v4 =	vadd.s32 v1, v4;
	_ =	sdelay $0x4  }
0x50: {  	[tilespmem:s31], [sflag:$0x4] =	stream.indirect_vreg.gather [hbm4b:s4+s2], $0x80, v4, vm0, $0xb8;
	[tilespmem:$0x10100] =	vst v63  }
0x51: {  	s10 =	simm.s32 $0x8900;
	v3 =	vperm.xlane v3, v2  }
0x52: {  	[tilespmem:s10], [sflag:$0x4] =	stream.indirect_vreg.gather [hbm4b:s7+s2], $0x80, v4, vm0, $0xb8;
	[tilespmem:$0x10100] =	vst v63  }
0x53: {  	v3 =	vadd.s32 v1, v3;
	s10 =	simm.s32 $0x9100  }
0x54: {  	[tilespmem:s10], [sflag:$0x4] =	stream.indirect_vreg.gather [hbm4b:s8+s2], $0x80, v4, vm0, $0xb8;
	[tilespmem:$0x10100] =	vst v63  }
0x55: {  	s10 =	simm.s32 $0x9900  }
0x56: {  	[tilespmem:s10], [sflag:$0x4] =	stream.indirect_vreg.gather [hbm4b:s9+s2], $0x80, v4, vm0, $0xb8;
	[tilespmem:$0x10100] =	vst v63  }
0x57: {  	s10 =	simm.s32 $0xA100  }
0x58: {  	[tilespmem:s10], [sflag:$0x4] =	stream.indirect_vreg.gather [hbm4b:s4+s2], $0x80, v3, vm0, $0xb8;
	[tilespmem:$0x10100] =	vst v63  }
0x59: {  	_ = 	snop  }
0x5a: {  	[tilespmem:s14], [sflag:$0x4] =	stream.indirect_vreg.gather [hbm4b:s7+s2], $0x80, v3, vm0, $0xb8;
	[tilespmem:$0x10100] =	vst v63  }
0x5b: {  	_ = 	snop  }
0x5c: {  	[tilespmem:s15], [sflag:$0x4] =	stream.indirect_vreg.gather [hbm4b:s8+s2], $0x80, v3, vm0, $0xb8;
	[tilespmem:$0x10100] =	vst v63  }
0x5d: {  	_ = 	snop  }
0x5e: {  	[tilespmem:s16], [sflag:$0x4] =	stream.indirect_vreg.gather [hbm4b:s9+s2], $0x80, v3, vm0, $0xb8;
	[tilespmem:$0x10100] =	vst v63  }
0x5f: {  	v3 =	vld [tilespmem:$0x90];
	_ =	sdelay $0x4  }
0x60: {  	v63 =	vshll.u32 v3, $0x3  }
0x61: {  	v3 =	vand.u32 $0x7, v3;
	v4 =	vand.u32 $0xFFFFFFC0, v63  }
0x62: {  	v3 =	vor.u32 v3, v4  }
0x63: {  	v4 =	vperm.xlane v3, v0;
	_ =	sdelay $0x1  }
0x64: {  	v4 =	vadd.s32 v1, v4;
	_ =	sdelay $0x4  }
0x65: {  	[tilespmem:s17], [sflag:$0x4] =	stream.indirect_vreg.gather [hbm4b:s4+s2], $0x80, v4, vm0, $0xb8;
	[tilespmem:$0x10100] =	vst v63  }
0x66: {  	v3 =	vperm.xlane v3, v2  }
0x67: {  	[tilespmem:s18], [sflag:$0x4] =	stream.indirect_vreg.gather [hbm4b:s7+s2], $0x80, v4, vm0, $0xb8;
	[tilespmem:$0x10100] =	vst v63  }
0x68: {  	v3 =	vadd.s32 v1, v3  }
0x69: {  	[tilespmem:s19], [sflag:$0x4] =	stream.indirect_vreg.gather [hbm4b:s8+s2], $0x80, v4, vm0, $0xb8;
	[tilespmem:$0x10100] =	vst v63  }
0x6a: {  	_ = 	snop  }
0x6b: {  	[tilespmem:s20], [sflag:$0x4] =	stream.indirect_vreg.gather [hbm4b:s9+s2], $0x80, v4, vm0, $0xb8;
	[tilespmem:$0x10100] =	vst v63  }
0x6c: {  	_ = 	snop  }
0x6d: {  	[tilespmem:s21], [sflag:$0x4] =	stream.indirect_vreg.gather [hbm4b:s4+s2], $0x80, v3, vm0, $0xb8;
	[tilespmem:$0x10100] =	vst v63  }
0x6e: {  	_ = 	snop  }
0x6f: {  	[tilespmem:s22], [sflag:$0x4] =	stream.indirect_vreg.gather [hbm4b:s7+s2], $0x80, v3, vm0, $0xb8;
	[tilespmem:$0x10100] =	vst v63  }
0x70: {  	_ = 	snop  }
0x71: {  	[tilespmem:s23], [sflag:$0x4] =	stream.indirect_vreg.gather [hbm4b:s8+s2], $0x80, v3, vm0, $0xb8;
	[tilespmem:$0x10100] =	vst v63  }
0x72: {  	_ = 	snop  }
0x73: {  	[tilespmem:s24], [sflag:$0x4] =	stream.indirect_vreg.gather [hbm4b:s9+s2], $0x80, v3, vm0, $0xb8;
	[tilespmem:$0x10100] =	vst v63  }
0x74: {  	_ =	swait.ge [sflag:s25], $0x8000  }
0x75: {  	s3 =	sshll.u32 s3, $0x7;
	[sflag:s25] =	ssyncset.done $0x0  }
0x76: {  	s3 =	sadd.s32 s1, s3;
	[sflag:s25] =	ssyncadd.s32 $0xFFFF8000  }
0x77: {  	[hbm4b:s3+s2] =	stream.linear.scatter [tilespmem:s13], [sflag:$0x5], $0x8000, $0x38;
	[tilespmem:$0x10100] =	vst v63  }
0x78: {  	_ =	swait.ge [sflag:s26], $0x8000  }
0x79: {  	s0 =	sshll.u32 s0, $0x7;
	[sflag:s26] =	ssyncset.done $0x0  }
0x7a: {  	s0 =	sadd.s32 s1, s0;
	[sflag:s26] =	ssyncadd.s32 $0xFFFF8000  }
0x7b: {  	[hbm4b:s0+s2] =	stream.linear.scatter [tilespmem:s31], [sflag:$0x6], $0x8000, $0x38;
	[tilespmem:$0x10100] =	vst v63  }
0x7c: {  	p1 =	por p0, p0;
	_ =	swait.ge [sflag:s28], $0x8000  }
.Ltmp0:
0x7d: {  	[sflag:s28] =	ssyncset.done $0x0;
	(pc) =	sbr.rel @p1 .LBB2_2-.Ltmp0, $4  }
0x7e: {  	[sflag:s28] =	ssyncadd.s32 $0xFFFF8000  }
0x7f: {  	_ =	swait.ge [sflag:s29], $0x8000  }
0x80: {  	[sflag:s29] =	ssyncset.done $0x0  }
0x81: {  	p0 =	por $0x0, $0x0;
	s0 =	simm.s32 $0x40;
	[sflag:s29] =	ssyncadd.s32 $0xFFFF8000  }
0x82: {  	s3 =	rddreg [dreg:$0x4]  }
0x83: {  	s0 =	rddreg [dreg:$0x3];
	s3 =	sadd.s32 $0x1, s3  }
0x84: {  	p0 =	sne.s32 s3, s0  }
.Ltmp1:
0x85: {  	_ = 	snop;
	(pc) =	sbr.rel @p0 .LBB2_1-.Ltmp1, $1  }
0x86: {  	_ =	sdelay $0x3  }
0x87: {  	_ =	sfence.sel $0x180000  }
0x88: {  	[bflag:$0x0] =	sbarrier.arrive $0xFFFF  }
0x89: {  	_ =	strace $0x9000004A  }
0x8a: {  	s0 =	stileid.u32;
	[bflag:$0x2] =	sbarrier.arrive $0xFFFF  }
0x8b: {  	p0 =	sne.s32 s0, $0x0;
	s0 =	rddreg [dreg:$0x2]  }
0x8c: {  	s0 =	sadd.s32 @!p0 $0x100000, s0  }
0x8d: {  	[sflag:s0] =	ssyncadd.tile.s32 @!p0 $0x1;
	_ =	shalt  }
.Lfunc_end2:
_tile_overlayer_lowered:
.L_overlay_start_2:
0x8e: {  	(tag) =	ssettag $0x2  }
0x8f: {  	s0 =	rddreg [dreg:$0x0];
	s2 =	stileid.u32  }
0x90: {  	s1 =	rddreg [dreg:$0x1];
	p0 =	sne.s32 s2, $0x0  }
0x91: {  	s3 =	rddreg [dreg:$0x2];
	[bflag:$0x3] =	sbarrier.arrive $0xFFFF;
	s2 =	simm.s32 @!p0 $0x1C07  }
0x92: {  	[timem:s3], [sflag:s2] =	dma.local @!p0 [hbm:s0], s1  }
0x93: {  	s0 =	simm.s32 @!p0 $0x7  }
0x94: {  	_ =	swait.ge @!p0 [sflag:s0], s1  }
0x95: {  	s1 =	ssub.s32 @!p0 $0x0, s1;
	[sflag:s0] =	ssyncset.done @!p0 $0x0  }
0x96: {  	[sflag:s0] =	ssyncadd.s32 @!p0 s1  }
0x97: {  	[bflag:$0x3] =	sbarrier.arrive $0xFFFF  }
0x98: {  	_ =	shalt  }

</sc_bundles>
